<compile_context>
chip_gen: v7x
topology: tpu7x:2x2x1
jax: 0.10.2.dev20260603
libtpu: 0.0.44.dev20260713+nightly
codegen_flags: <defaults>
</compile_context>

<pallas_src>
import functools

import jax
import jax.numpy as jnp
from jax import lax
from jax.experimental import pallas as pl
from jax.experimental.pallas import tpu as pltpu
from jax.experimental.pallas import tpu_sc as plsc

SEQ = 200
EMBED = 64
LANES = 16
NUM_WORKERS = 32
ROWS_PER_CHUNK = 4
EMBED_SCALE = 8.0


def _body(idx_hbm, tok_hbm, pos_hbm, out_hbm, idx_v, rows_v, pos_v, sem):
    c = lax.axis_index("c")
    s = lax.axis_index("s")
    wid = s * 2 + c
    batch = out_hbm.shape[0]
    rows_per_worker = batch // NUM_WORKERS
    chunks_per_worker = rows_per_worker // ROWS_PER_CHUNK

    pltpu.sync_copy(pos_hbm, pos_v)

    def chunk_body(ci, _):
        b0 = wid * rows_per_worker + ci * ROWS_PER_CHUNK

        pltpu.sync_copy(idx_hbm.at[pl.ds(b0, ROWS_PER_CHUNK)], idx_v)

        copies = []
        for jb in range(ROWS_PER_CHUNK):
            copies.append(
                pltpu.async_copy(
                    tok_hbm.at[idx_v.at[jb]],
                    rows_v.at[jb],
                    sem,
                )
            )
        for cp in copies:
            cp.wait()

        def pos_body(p, _):
            pv = [pos_v[p, pl.ds(d * LANES, LANES)] for d in range(EMBED // LANES)]
            for jb in range(ROWS_PER_CHUNK):
                for d in range(EMBED // LANES):
                    sl = pl.ds(d * LANES, LANES)
                    rows_v[jb, p, sl] = rows_v[jb, p, sl] * EMBED_SCALE + pv[d]
            return _

        lax.fori_loop(0, SEQ, pos_body, None)

        pltpu.sync_copy(rows_v, out_hbm.at[pl.ds(b0, ROWS_PER_CHUNK)])
        return _

    lax.fori_loop(0, chunks_per_worker, chunk_body, None)


def kernel(inputs, token_table, position_table):
    batch, seq = inputs.shape

    mesh = plsc.VectorSubcoreMesh(core_axis_name="c", subcore_axis_name="s")
    k = functools.partial(
        pl.kernel,
        mesh=mesh,
        out_type=jax.ShapeDtypeStruct((batch, seq, EMBED), jnp.float32),
        scratch_types=[
            pltpu.VMEM((ROWS_PER_CHUNK, SEQ), jnp.int32),
            pltpu.VMEM((ROWS_PER_CHUNK, SEQ, EMBED), jnp.float32),
            pltpu.VMEM((SEQ, EMBED), jnp.float32),
            pltpu.SemaphoreType.DMA,
        ],
        compiler_params=pltpu.CompilerParams(use_tc_tiling_on_sc=False),
    )(_body)

    return k(inputs, token_table, position_table)

# --- scband reference (transcript-rebuilt; emitter-appended) ---
"""Pipeline reference for scband-postional-embedding-16965120819591 (READ-ONLY COPY).

The authoritative reference and input builder live on the scoring server;
editing this copy changes nothing except your own understanding.
"""

import jax, jax.numpy as jnp
import numpy as np

SEQUENCE_LENGTH = 200
VOCAB_SIZE = 1000000
EMBED_DIM = 64
BATCH = 4096


def setup_inputs(seed: int = 0) -> dict:
    key = jax.random.key(seed)
    k_idx, k_tok, k_pos = jax.random.split(key, 3)
    inputs = jax.random.randint(k_idx, (BATCH, SEQUENCE_LENGTH), 0, VOCAB_SIZE, dtype=jnp.int64 if jax.config.jax_enable_x64 else jnp.int32)
    token_table = jax.random.normal(k_tok, (VOCAB_SIZE, EMBED_DIM), dtype=jnp.float32) * 0.05
    position_table = jax.random.normal(k_pos, (SEQUENCE_LENGTH, EMBED_DIM), dtype=jnp.float32) * 0.05
    return {"inputs": inputs, "token_table": token_table, "position_table": position_table}


def reference(inputs, token_table, position_table):
    length = inputs.shape[-1]
    positions = jnp.arange(0, length)
    embed_scale = jnp.sqrt(jnp.asarray(EMBED_DIM, dtype=jnp.float32))
    embedded_tokens = jnp.take(token_table, inputs, axis=0)
    embedded_tokens = embedded_tokens * embed_scale
    embedded_positions = jnp.take(position_table, positions, axis=0)
    return embedded_tokens + embedded_positions

if __name__ == "__main__":
    import jax
    _d = setup_inputs()
    print(jax.jit(kernel)(*tuple(_d.values())))

</pallas_src>

<mosaic_0001>
#map = affine_map<(d0, d1) -> (0, 0)>
#map1 = affine_map<(d0, d1) -> (0, 0, 0)>
module attributes {stable_mosaic.version = 14 : i64} {
  func.func @_body(%arg0: i32, %arg1: i32, %arg2: memref<4096x200xi32, #tpu.memory_space<hbm>>, %arg3: memref<1000000x64xf32, #tpu.memory_space<hbm>>, %arg4: memref<200x64xf32, #tpu.memory_space<hbm>>, %arg5: memref<4096x200x64xf32, #tpu.memory_space<hbm>>, %arg6: memref<4x200xi32, #tpu.memory_space<vmem>>, %arg7: memref<4x200x64xf32, #tpu.memory_space<vmem>>, %arg8: memref<200x64xf32, #tpu.memory_space<vmem>>, %arg9: memref<!tpu.dma_semaphore, #tpu.memory_space<semaphore_mem>>) attributes {dimension_semantics = [#tpu.dimension_semantics<core_parallel>, #tpu.dimension_semantics<subcore_parallel>], iteration_bounds = array<i64: 2, 16>, scalar_prefetch = 0 : i64, scratch_operands = 4 : i64, tpu.core_type = #tpu.core_type<sc_vector_subcore>, window_params = [{transform_indices = #map}, {transform_indices = #map}, {transform_indices = #map}, {transform_indices = #map1}]} {
    %mul3A = arith.constant 2 : i32
    %mul3A_0 = arith.muli %arg1, %mul3A : i32
    %add3A = arith.addi %mul3A_0, %arg0 : i32
    "tpu.region"() ({
      %run_scoped3A = tpu.sem_alloc : memref<!tpu.dma_semaphore, #tpu.memory_space<semaphore_mem>>
      tpu.enqueue_dma source(%arg4 : memref<200x64xf32, #tpu.memory_space<hbm>>) target(%arg8 : memref<200x64xf32, #tpu.memory_space<vmem>>) target_semaphore(%run_scoped3A : memref<!tpu.dma_semaphore, #tpu.memory_space<semaphore_mem>>)
      tpu.wait_dma2 semaphore(%run_scoped3A : memref<!tpu.dma_semaphore, #tpu.memory_space<semaphore_mem>>) src(%arg4 : memref<200x64xf32, #tpu.memory_space<hbm>>) dst(%arg8 : memref<200x64xf32, #tpu.memory_space<vmem>>)
      tpu.yield
    }) : () -> ()
    %scan3A = arith.constant 0 : i32
    %scan3A_1 = arith.constant 32 : i32
    %scan3A_2 = arith.addi %scan3A, %scan3A_1 : i32
    %scan3A_3 = arith.constant 1 : i32
    scf.for %scan3A_5 = %scan3A to %scan3A_2 step %scan3A_3  : i32 {
      %mul3A_6 = arith.constant 128 : i32
      %mul3A_7 = arith.muli %add3A, %mul3A_6 : i32
      %mul3A_8 = arith.constant 4 : i32
      %mul3A_9 = arith.muli %scan3A_5, %mul3A_8 : i32
      %add3A_10 = arith.addi %mul3A_7, %mul3A_9 : i32
      "tpu.region"() ({
        %run_scoped3A = tpu.sem_alloc : memref<!tpu.dma_semaphore, #tpu.memory_space<semaphore_mem>>
        %dma_start3A_110 = arith.constant 0 : i32
        %dma_start3A_111 = tpu.memref_slice %arg2[%add3A_10, %dma_start3A_110] : memref<4096x200xi32, #tpu.memory_space<hbm>> -> memref<4x200xi32, #tpu.memory_space<hbm>>
        %dma_start3A_112 = arith.constant 0 : i32
        %dma_start3A_113 = tpu.memref_slice %arg2[%add3A_10, %dma_start3A_112] : memref<4096x200xi32, #tpu.memory_space<hbm>> -> memref<4x200xi32, #tpu.memory_space<hbm>>
        tpu.enqueue_dma source(%dma_start3A_113 : memref<4x200xi32, #tpu.memory_space<hbm>>) target(%arg6 : memref<4x200xi32, #tpu.memory_space<vmem>>) target_semaphore(%run_scoped3A : memref<!tpu.dma_semaphore, #tpu.memory_space<semaphore_mem>>)
        %dma_wait3A_114 = arith.constant 0 : i32
        %dma_wait3A_115 = tpu.memref_slice %arg2[%add3A_10, %dma_wait3A_114] : memref<4096x200xi32, #tpu.memory_space<hbm>> -> memref<4x200xi32, #tpu.memory_space<hbm>>
        %dma_wait3A_116 = arith.constant 0 : i32
        %dma_wait3A_117 = tpu.memref_slice %arg2[%add3A_10, %dma_wait3A_116] : memref<4096x200xi32, #tpu.memory_space<hbm>> -> memref<4x200xi32, #tpu.memory_space<hbm>>
        tpu.wait_dma2 semaphore(%run_scoped3A : memref<!tpu.dma_semaphore, #tpu.memory_space<semaphore_mem>>) src(%dma_wait3A_117 : memref<4x200xi32, #tpu.memory_space<hbm>>) dst(%arg6 : memref<4x200xi32, #tpu.memory_space<vmem>>)
        tpu.yield
      }) : () -> ()
      %dma_start3A = arith.constant 0 : i32
      %dma_start3A_11 = arith.constant 0 : i32
      %dma_start3A_12 = arith.constant 0 : i32
      %dma_start3A_13 = arith.constant 0 : i32
      %dma_start3A_14 = tpu.memref_slice %arg7[%dma_start3A_11, %dma_start3A_12, %dma_start3A_13] : memref<4x200x64xf32, #tpu.memory_space<vmem>> -> memref<1x200x64xf32, #tpu.memory_space<vmem>>
      %dma_start3A_15 = tpu.memref_squeeze %dma_start3A_14 : memref<1x200x64xf32, #tpu.memory_space<vmem>> -> memref<200x64xf32, #tpu.memory_space<vmem>>
      %dma_start3A_16 = arith.constant 0 : i32
      %dma_start3A_17 = tpu.memref_slice %arg6[%dma_start3A, %dma_start3A_16] : memref<4x200xi32, #tpu.memory_space<vmem>> -> memref<1x200xi32, #tpu.memory_space<vmem>>
      %dma_start3A_18 = tpu.memref_squeeze %dma_start3A_17 : memref<1x200xi32, #tpu.memory_space<vmem>> -> memref<200xi32, #tpu.memory_space<vmem>>
      %dma_start3A_19 = arith.constant 0 : i32
      %dma_start3A_20 = arith.constant 0 : i32
      %dma_start3A_21 = tpu.memref_slice %arg3[%dma_start3A_19, %dma_start3A_20] : memref<1000000x64xf32, #tpu.memory_space<hbm>> -> memref<1000000x64xf32, #tpu.memory_space<hbm>>
      tpu.enqueue_indirect_dma source(%dma_start3A_21 : memref<1000000x64xf32, #tpu.memory_space<hbm>>) target(%dma_start3A_15 : memref<200x64xf32, #tpu.memory_space<vmem>>) offsets(%dma_start3A_18 : memref<200xi32, #tpu.memory_space<vmem>>) semaphore(%arg9 : memref<!tpu.dma_semaphore, #tpu.memory_space<semaphore_mem>>)
      %dma_start3A_22 = arith.constant 1 : i32
      %dma_start3A_23 = arith.constant 1 : i32
      %dma_start3A_24 = arith.constant 0 : i32
      %dma_start3A_25 = arith.constant 0 : i32
      %dma_start3A_26 = tpu.memref_slice %arg7[%dma_start3A_23, %dma_start3A_24, %dma_start3A_25] : memref<4x200x64xf32, #tpu.memory_space<vmem>> -> memref<1x200x64xf32, #tpu.memory_space<vmem>>
      %dma_start3A_27 = tpu.memref_squeeze %dma_start3A_26 : memref<1x200x64xf32, #tpu.memory_space<vmem>> -> memref<200x64xf32, #tpu.memory_space<vmem>>
      %dma_start3A_28 = arith.constant 0 : i32
      %dma_start3A_29 = tpu.memref_slice %arg6[%dma_start3A_22, %dma_start3A_28] : memref<4x200xi32, #tpu.memory_space<vmem>> -> memref<1x200xi32, #tpu.memory_space<vmem>>
      %dma_start3A_30 = tpu.memref_squeeze %dma_start3A_29 : memref<1x200xi32, #tpu.memory_space<vmem>> -> memref<200xi32, #tpu.memory_space<vmem>>
      %dma_start3A_31 = arith.constant 0 : i32
      %dma_start3A_32 = arith.constant 0 : i32
      %dma_start3A_33 = tpu.memref_slice %arg3[%dma_start3A_31, %dma_start3A_32] : memref<1000000x64xf32, #tpu.memory_space<hbm>> -> memref<1000000x64xf32, #tpu.memory_space<hbm>>
      tpu.enqueue_indirect_dma source(%dma_start3A_33 : memref<1000000x64xf32, #tpu.memory_space<hbm>>) target(%dma_start3A_27 : memref<200x64xf32, #tpu.memory_space<vmem>>) offsets(%dma_start3A_30 : memref<200xi32, #tpu.memory_space<vmem>>) semaphore(%arg9 : memref<!tpu.dma_semaphore, #tpu.memory_space<semaphore_mem>>)
      %dma_start3A_34 = arith.constant 2 : i32
      %dma_start3A_35 = arith.constant 2 : i32
      %dma_start3A_36 = arith.constant 0 : i32
      %dma_start3A_37 = arith.constant 0 : i32
      %dma_start3A_38 = tpu.memref_slice %arg7[%dma_start3A_35, %dma_start3A_36, %dma_start3A_37] : memref<4x200x64xf32, #tpu.memory_space<vmem>> -> memref<1x200x64xf32, #tpu.memory_space<vmem>>
      %dma_start3A_39 = tpu.memref_squeeze %dma_start3A_38 : memref<1x200x64xf32, #tpu.memory_space<vmem>> -> memref<200x64xf32, #tpu.memory_space<vmem>>
      %dma_start3A_40 = arith.constant 0 : i32
      %dma_start3A_41 = tpu.memref_slice %arg6[%dma_start3A_34, %dma_start3A_40] : memref<4x200xi32, #tpu.memory_space<vmem>> -> memref<1x200xi32, #tpu.memory_space<vmem>>
      %dma_start3A_42 = tpu.memref_squeeze %dma_start3A_41 : memref<1x200xi32, #tpu.memory_space<vmem>> -> memref<200xi32, #tpu.memory_space<vmem>>
      %dma_start3A_43 = arith.constant 0 : i32
      %dma_start3A_44 = arith.constant 0 : i32
      %dma_start3A_45 = tpu.memref_slice %arg3[%dma_start3A_43, %dma_start3A_44] : memref<1000000x64xf32, #tpu.memory_space<hbm>> -> memref<1000000x64xf32, #tpu.memory_space<hbm>>
      tpu.enqueue_indirect_dma source(%dma_start3A_45 : memref<1000000x64xf32, #tpu.memory_space<hbm>>) target(%dma_start3A_39 : memref<200x64xf32, #tpu.memory_space<vmem>>) offsets(%dma_start3A_42 : memref<200xi32, #tpu.memory_space<vmem>>) semaphore(%arg9 : memref<!tpu.dma_semaphore, #tpu.memory_space<semaphore_mem>>)
      %dma_start3A_46 = arith.constant 3 : i32
      %dma_start3A_47 = arith.constant 3 : i32
      %dma_start3A_48 = arith.constant 0 : i32
      %dma_start3A_49 = arith.constant 0 : i32
      %dma_start3A_50 = tpu.memref_slice %arg7[%dma_start3A_47, %dma_start3A_48, %dma_start3A_49] : memref<4x200x64xf32, #tpu.memory_space<vmem>> -> memref<1x200x64xf32, #tpu.memory_space<vmem>>
      %dma_start3A_51 = tpu.memref_squeeze %dma_start3A_50 : memref<1x200x64xf32, #tpu.memory_space<vmem>> -> memref<200x64xf32, #tpu.memory_space<vmem>>
      %dma_start3A_52 = arith.constant 0 : i32
      %dma_start3A_53 = tpu.memref_slice %arg6[%dma_start3A_46, %dma_start3A_52] : memref<4x200xi32, #tpu.memory_space<vmem>> -> memref<1x200xi32, #tpu.memory_space<vmem>>
      %dma_start3A_54 = tpu.memref_squeeze %dma_start3A_53 : memref<1x200xi32, #tpu.memory_space<vmem>> -> memref<200xi32, #tpu.memory_space<vmem>>
      %dma_start3A_55 = arith.constant 0 : i32
      %dma_start3A_56 = arith.constant 0 : i32
      %dma_start3A_57 = tpu.memref_slice %arg3[%dma_start3A_55, %dma_start3A_56] : memref<1000000x64xf32, #tpu.memory_space<hbm>> -> memref<1000000x64xf32, #tpu.memory_space<hbm>>
      tpu.enqueue_indirect_dma source(%dma_start3A_57 : memref<1000000x64xf32, #tpu.memory_space<hbm>>) target(%dma_start3A_51 : memref<200x64xf32, #tpu.memory_space<vmem>>) offsets(%dma_start3A_54 : memref<200xi32, #tpu.memory_space<vmem>>) semaphore(%arg9 : memref<!tpu.dma_semaphore, #tpu.memory_space<semaphore_mem>>)
      %dma_wait3A = arith.constant 0 : i32
      %dma_wait3A_58 = arith.constant 0 : i32
      %dma_wait3A_59 = arith.constant 0 : i32
      %dma_wait3A_60 = arith.constant 0 : i32
      %dma_wait3A_61 = tpu.memref_slice %arg7[%dma_wait3A_58, %dma_wait3A_59, %dma_wait3A_60] : memref<4x200x64xf32, #tpu.memory_space<vmem>> -> memref<1x200x64xf32, #tpu.memory_space<vmem>>
      %dma_wait3A_62 = tpu.memref_squeeze %dma_wait3A_61 : memref<1x200x64xf32, #tpu.memory_space<vmem>> -> memref<200x64xf32, #tpu.memory_space<vmem>>
      %dma_wait3A_63 = arith.constant 0 : i32
      %dma_wait3A_64 = tpu.memref_slice %arg6[%dma_wait3A, %dma_wait3A_63] : memref<4x200xi32, #tpu.memory_space<vmem>> -> memref<1x200xi32, #tpu.memory_space<vmem>>
      %dma_wait3A_65 = tpu.memref_squeeze %dma_wait3A_64 : memref<1x200xi32, #tpu.memory_space<vmem>> -> memref<200xi32, #tpu.memory_space<vmem>>
      %dma_wait3A_66 = arith.constant 0 : i32
      %dma_wait3A_67 = arith.constant 0 : i32
      %dma_wait3A_68 = tpu.memref_slice %arg3[%dma_wait3A_66, %dma_wait3A_67] : memref<1000000x64xf32, #tpu.memory_space<hbm>> -> memref<1000000x64xf32, #tpu.memory_space<hbm>>
      tpu.wait_indirect_dma semaphore(%arg9 : memref<!tpu.dma_semaphore, #tpu.memory_space<semaphore_mem>>) src(%dma_wait3A_68 : memref<1000000x64xf32, #tpu.memory_space<hbm>>) dst(%dma_wait3A_62 : memref<200x64xf32, #tpu.memory_space<vmem>>)
      %dma_wait3A_69 = arith.constant 1 : i32
      %dma_wait3A_70 = arith.constant 1 : i32
      %dma_wait3A_71 = arith.constant 0 : i32
      %dma_wait3A_72 = arith.constant 0 : i32
      %dma_wait3A_73 = tpu.memref_slice %arg7[%dma_wait3A_70, %dma_wait3A_71, %dma_wait3A_72] : memref<4x200x64xf32, #tpu.memory_space<vmem>> -> memref<1x200x64xf32, #tpu.memory_space<vmem>>
      %dma_wait3A_74 = tpu.memref_squeeze %dma_wait3A_73 : memref<1x200x64xf32, #tpu.memory_space<vmem>> -> memref<200x64xf32, #tpu.memory_space<vmem>>
      %dma_wait3A_75 = arith.constant 0 : i32
      %dma_wait3A_76 = tpu.memref_slice %arg6[%dma_wait3A_69, %dma_wait3A_75] : memref<4x200xi32, #tpu.memory_space<vmem>> -> memref<1x200xi32, #tpu.memory_space<vmem>>
      %dma_wait3A_77 = tpu.memref_squeeze %dma_wait3A_76 : memref<1x200xi32, #tpu.memory_space<vmem>> -> memref<200xi32, #tpu.memory_space<vmem>>
      %dma_wait3A_78 = arith.constant 0 : i32
      %dma_wait3A_79 = arith.constant 0 : i32
      %dma_wait3A_80 = tpu.memref_slice %arg3[%dma_wait3A_78, %dma_wait3A_79] : memref<1000000x64xf32, #tpu.memory_space<hbm>> -> memref<1000000x64xf32, #tpu.memory_space<hbm>>
      tpu.wait_indirect_dma semaphore(%arg9 : memref<!tpu.dma_semaphore, #tpu.memory_space<semaphore_mem>>) src(%dma_wait3A_80 : memref<1000000x64xf32, #tpu.memory_space<hbm>>) dst(%dma_wait3A_74 : memref<200x64xf32, #tpu.memory_space<vmem>>)
      %dma_wait3A_81 = arith.constant 2 : i32
      %dma_wait3A_82 = arith.constant 2 : i32
      %dma_wait3A_83 = arith.constant 0 : i32
      %dma_wait3A_84 = arith.constant 0 : i32
      %dma_wait3A_85 = tpu.memref_slice %arg7[%dma_wait3A_82, %dma_wait3A_83, %dma_wait3A_84] : memref<4x200x64xf32, #tpu.memory_space<vmem>> -> memref<1x200x64xf32, #tpu.memory_space<vmem>>
      %dma_wait3A_86 = tpu.memref_squeeze %dma_wait3A_85 : memref<1x200x64xf32, #tpu.memory_space<vmem>> -> memref<200x64xf32, #tpu.memory_space<vmem>>
      %dma_wait3A_87 = arith.constant 0 : i32
      %dma_wait3A_88 = tpu.memref_slice %arg6[%dma_wait3A_81, %dma_wait3A_87] : memref<4x200xi32, #tpu.memory_space<vmem>> -> memref<1x200xi32, #tpu.memory_space<vmem>>
      %dma_wait3A_89 = tpu.memref_squeeze %dma_wait3A_88 : memref<1x200xi32, #tpu.memory_space<vmem>> -> memref<200xi32, #tpu.memory_space<vmem>>
      %dma_wait3A_90 = arith.constant 0 : i32
      %dma_wait3A_91 = arith.constant 0 : i32
      %dma_wait3A_92 = tpu.memref_slice %arg3[%dma_wait3A_90, %dma_wait3A_91] : memref<1000000x64xf32, #tpu.memory_space<hbm>> -> memref<1000000x64xf32, #tpu.memory_space<hbm>>
      tpu.wait_indirect_dma semaphore(%arg9 : memref<!tpu.dma_semaphore, #tpu.memory_space<semaphore_mem>>) src(%dma_wait3A_92 : memref<1000000x64xf32, #tpu.memory_space<hbm>>) dst(%dma_wait3A_86 : memref<200x64xf32, #tpu.memory_space<vmem>>)
      %dma_wait3A_93 = arith.constant 3 : i32
      %dma_wait3A_94 = arith.constant 3 : i32
      %dma_wait3A_95 = arith.constant 0 : i32
      %dma_wait3A_96 = arith.constant 0 : i32
      %dma_wait3A_97 = tpu.memref_slice %arg7[%dma_wait3A_94, %dma_wait3A_95, %dma_wait3A_96] : memref<4x200x64xf32, #tpu.memory_space<vmem>> -> memref<1x200x64xf32, #tpu.memory_space<vmem>>
      %dma_wait3A_98 = tpu.memref_squeeze %dma_wait3A_97 : memref<1x200x64xf32, #tpu.memory_space<vmem>> -> memref<200x64xf32, #tpu.memory_space<vmem>>
      %dma_wait3A_99 = arith.constant 0 : i32
      %dma_wait3A_100 = tpu.memref_slice %arg6[%dma_wait3A_93, %dma_wait3A_99] : memref<4x200xi32, #tpu.memory_space<vmem>> -> memref<1x200xi32, #tpu.memory_space<vmem>>
      %dma_wait3A_101 = tpu.memref_squeeze %dma_wait3A_100 : memref<1x200xi32, #tpu.memory_space<vmem>> -> memref<200xi32, #tpu.memory_space<vmem>>
      %dma_wait3A_102 = arith.constant 0 : i32
      %dma_wait3A_103 = arith.constant 0 : i32
      %dma_wait3A_104 = tpu.memref_slice %arg3[%dma_wait3A_102, %dma_wait3A_103] : memref<1000000x64xf32, #tpu.memory_space<hbm>> -> memref<1000000x64xf32, #tpu.memory_space<hbm>>
      tpu.wait_indirect_dma semaphore(%arg9 : memref<!tpu.dma_semaphore, #tpu.memory_space<semaphore_mem>>) src(%dma_wait3A_104 : memref<1000000x64xf32, #tpu.memory_space<hbm>>) dst(%dma_wait3A_98 : memref<200x64xf32, #tpu.memory_space<vmem>>)
      %scan3A_105 = arith.constant 0 : i32
      %scan3A_106 = arith.constant 200 : i32
      %scan3A_107 = arith.addi %scan3A_105, %scan3A_106 : i32
      %scan3A_108 = arith.constant 1 : i32
      scf.for %scan3A_110 = %scan3A_105 to %scan3A_107 step %scan3A_108  : i32 {
        %get3A = arith.index_cast %scan3A_110 : i32 to index
        %get3A_111 = arith.constant 0 : index
        %get3A_112 = tpu.vector_load %arg8[%get3A, %get3A_111] {strides = array<i32>} : memref<200x64xf32, #tpu.memory_space<vmem>>, vector<1x16xf32>,
        %get3A_113 = vector.shape_cast %get3A_112 : vector<1x16xf32> to vector<16xf32>
        %get3A_114 = arith.index_cast %scan3A_110 : i32 to index
        %get3A_115 = arith.constant 16 : index
        %get3A_116 = tpu.vector_load %arg8[%get3A_114, %get3A_115] {strides = array<i32>} : memref<200x64xf32, #tpu.memory_space<vmem>>, vector<1x16xf32>,
        %get3A_117 = vector.shape_cast %get3A_116 : vector<1x16xf32> to vector<16xf32>
        %get3A_118 = arith.index_cast %scan3A_110 : i32 to index
        %get3A_119 = arith.constant 32 : index
        %get3A_120 = tpu.vector_load %arg8[%get3A_118, %get3A_119] {strides = array<i32>} : memref<200x64xf32, #tpu.memory_space<vmem>>, vector<1x16xf32>,
        %get3A_121 = vector.shape_cast %get3A_120 : vector<1x16xf32> to vector<16xf32>
        %get3A_122 = arith.index_cast %scan3A_110 : i32 to index
        %get3A_123 = arith.constant 48 : index
        %get3A_124 = tpu.vector_load %arg8[%get3A_122, %get3A_123] {strides = array<i32>} : memref<200x64xf32, #tpu.memory_space<vmem>>, vector<1x16xf32>,
        %get3A_125 = vector.shape_cast %get3A_124 : vector<1x16xf32> to vector<16xf32>
        %get3A_126 = arith.constant 0 : i32
        %get3A_127 = arith.index_cast %get3A_126 : i32 to index
        %get3A_128 = arith.index_cast %scan3A_110 : i32 to index
        %get3A_129 = arith.constant 0 : index
        %get3A_130 = tpu.vector_load %arg7[%get3A_127, %get3A_128, %get3A_129] {strides = array<i32>} : memref<4x200x64xf32, #tpu.memory_space<vmem>>, vector<1x1x16xf32>,
        %get3A_131 = vector.shape_cast %get3A_130 : vector<1x1x16xf32> to vector<16xf32>
        %mul3A_132 = arith.constant 8.000000e+00 : f32
        %mul3A_133 = vector.broadcast %mul3A_132 : f32 to vector<16xf32>
        %mul3A_134 = arith.mulf %get3A_131, %mul3A_133 : vector<16xf32>
        %add3A_135 = arith.addf %mul3A_134, %get3A_113 : vector<16xf32>
        %swap3A = arith.constant 0 : i32
        %swap3A_136 = arith.index_cast %swap3A : i32 to index
        %swap3A_137 = arith.index_cast %scan3A_110 : i32 to index
        %swap3A_138 = arith.constant 0 : index
        %swap3A_139 = tpu.vector_load %arg7[%swap3A_136, %swap3A_137, %swap3A_138] {strides = array<i32>} : memref<4x200x64xf32, #tpu.memory_space<vmem>>, vector<1x1x16xf32>,
        %swap3A_140 = vector.shape_cast %swap3A_139 : vector<1x1x16xf32> to vector<16xf32>
        %swap3A_141 = vector.shape_cast %add3A_135 : vector<16xf32> to vector<1x1x16xf32>
        tpu.vector_store %arg7[%swap3A_136, %swap3A_137, %swap3A_138], %swap3A_141 {strides = array<i32>} : memref<4x200x64xf32, #tpu.memory_space<vmem>>, vector<1x1x16xf32>,
        %get3A_142 = arith.constant 0 : i32
        %get3A_143 = arith.index_cast %get3A_142 : i32 to index
        %get3A_144 = arith.index_cast %scan3A_110 : i32 to index
        %get3A_145 = arith.constant 16 : index
        %get3A_146 = tpu.vector_load %arg7[%get3A_143, %get3A_144, %get3A_145] {strides = array<i32>} : memref<4x200x64xf32, #tpu.memory_space<vmem>>, vector<1x1x16xf32>,
        %get3A_147 = vector.shape_cast %get3A_146 : vector<1x1x16xf32> to vector<16xf32>
        %mul3A_148 = arith.constant 8.000000e+00 : f32
        %mul3A_149 = vector.broadcast %mul3A_148 : f32 to vector<16xf32>
        %mul3A_150 = arith.mulf %get3A_147, %mul3A_149 : vector<16xf32>
        %add3A_151 = arith.addf %mul3A_150, %get3A_117 : vector<16xf32>
        %swap3A_152 = arith.constant 0 : i32
        %swap3A_153 = arith.index_cast %swap3A_152 : i32 to index
        %swap3A_154 = arith.index_cast %scan3A_110 : i32 to index
        %swap3A_155 = arith.constant 16 : index
        %swap3A_156 = tpu.vector_load %arg7[%swap3A_153, %swap3A_154, %swap3A_155] {strides = array<i32>} : memref<4x200x64xf32, #tpu.memory_space<vmem>>, vector<1x1x16xf32>,
        %swap3A_157 = vector.shape_cast %swap3A_156 : vector<1x1x16xf32> to vector<16xf32>
        %swap3A_158 = vector.shape_cast %add3A_151 : vector<16xf32> to vector<1x1x16xf32>
        tpu.vector_store %arg7[%swap3A_153, %swap3A_154, %swap3A_155], %swap3A_158 {strides = array<i32>} : memref<4x200x64xf32, #tpu.memory_space<vmem>>, vector<1x1x16xf32>,
        %get3A_159 = arith.constant 0 : i32
        %get3A_160 = arith.index_cast %get3A_159 : i32 to index
        %get3A_161 = arith.index_cast %scan3A_110 : i32 to index
        %get3A_162 = arith.constant 32 : index
        %get3A_163 = tpu.vector_load %arg7[%get3A_160, %get3A_161, %get3A_162] {strides = array<i32>} : memref<4x200x64xf32, #tpu.memory_space<vmem>>, vector<1x1x16xf32>,
        %get3A_164 = vector.shape_cast %get3A_163 : vector<1x1x16xf32> to vector<16xf32>
        %mul3A_165 = arith.constant 8.000000e+00 : f32
        %mul3A_166 = vector.broadcast %mul3A_165 : f32 to vector<16xf32>
        %mul3A_167 = arith.mulf %get3A_164, %mul3A_166 : vector<16xf32>
        %add3A_168 = arith.addf %mul3A_167, %get3A_121 : vector<16xf32>
        %swap3A_169 = arith.constant 0 : i32
        %swap3A_170 = arith.index_cast %swap3A_169 : i32 to index
        %swap3A_171 = arith.index_cast %scan3A_110 : i32 to index
        %swap3A_172 = arith.constant 32 : index
        %swap3A_173 = tpu.vector_load %arg7[%swap3A_170, %swap3A_171, %swap3A_172] {strides = array<i32>} : memref<4x200x64xf32, #tpu.memory_space<vmem>>, vector<1x1x16xf32>,
        %swap3A_174 = vector.shape_cast %swap3A_173 : vector<1x1x16xf32> to vector<16xf32>
        %swap3A_175 = vector.shape_cast %add3A_168 : vector<16xf32> to vector<1x1x16xf32>
        tpu.vector_store %arg7[%swap3A_170, %swap3A_171, %swap3A_172], %swap3A_175 {strides = array<i32>} : memref<4x200x64xf32, #tpu.memory_space<vmem>>, vector<1x1x16xf32>,
        %get3A_176 = arith.constant 0 : i32
        %get3A_177 = arith.index_cast %get3A_176 : i32 to index
        %get3A_178 = arith.index_cast %scan3A_110 : i32 to index
        %get3A_179 = arith.constant 48 : index
        %get3A_180 = tpu.vector_load %arg7[%get3A_177, %get3A_178, %get3A_179] {strides = array<i32>} : memref<4x200x64xf32, #tpu.memory_space<vmem>>, vector<1x1x16xf32>,
        %get3A_181 = vector.shape_cast %get3A_180 : vector<1x1x16xf32> to vector<16xf32>
        %mul3A_182 = arith.constant 8.000000e+00 : f32
        %mul3A_183 = vector.broadcast %mul3A_182 : f32 to vector<16xf32>
        %mul3A_184 = arith.mulf %get3A_181, %mul3A_183 : vector<16xf32>
        %add3A_185 = arith.addf %mul3A_184, %get3A_125 : vector<16xf32>
        %swap3A_186 = arith.constant 0 : i32
        %swap3A_187 = arith.index_cast %swap3A_186 : i32 to index
        %swap3A_188 = arith.index_cast %scan3A_110 : i32 to index
        %swap3A_189 = arith.constant 48 : index
        %swap3A_190 = tpu.vector_load %arg7[%swap3A_187, %swap3A_188, %swap3A_189] {strides = array<i32>} : memref<4x200x64xf32, #tpu.memory_space<vmem>>, vector<1x1x16xf32>,
        %swap3A_191 = vector.shape_cast %swap3A_190 : vector<1x1x16xf32> to vector<16xf32>
        %swap3A_192 = vector.shape_cast %add3A_185 : vector<16xf32> to vector<1x1x16xf32>
        tpu.vector_store %arg7[%swap3A_187, %swap3A_188, %swap3A_189], %swap3A_192 {strides = array<i32>} : memref<4x200x64xf32, #tpu.memory_space<vmem>>, vector<1x1x16xf32>,
        %get3A_193 = arith.constant 1 : i32
        %get3A_194 = arith.index_cast %get3A_193 : i32 to index
        %get3A_195 = arith.index_cast %scan3A_110 : i32 to index
        %get3A_196 = arith.constant 0 : index
        %get3A_197 = tpu.vector_load %arg7[%get3A_194, %get3A_195, %get3A_196] {strides = array<i32>} : memref<4x200x64xf32, #tpu.memory_space<vmem>>, vector<1x1x16xf32>,
        %get3A_198 = vector.shape_cast %get3A_197 : vector<1x1x16xf32> to vector<16xf32>
        %mul3A_199 = arith.constant 8.000000e+00 : f32
        %mul3A_200 = vector.broadcast %mul3A_199 : f32 to vector<16xf32>
        %mul3A_201 = arith.mulf %get3A_198, %mul3A_200 : vector<16xf32>
        %add3A_202 = arith.addf %mul3A_201, %get3A_113 : vector<16xf32>
        %swap3A_203 = arith.constant 1 : i32
        %swap3A_204 = arith.index_cast %swap3A_203 : i32 to index
        %swap3A_205 = arith.index_cast %scan3A_110 : i32 to index
        %swap3A_206 = arith.constant 0 : index
        %swap3A_207 = tpu.vector_load %arg7[%swap3A_204, %swap3A_205, %swap3A_206] {strides = array<i32>} : memref<4x200x64xf32, #tpu.memory_space<vmem>>, vector<1x1x16xf32>,
        %swap3A_208 = vector.shape_cast %swap3A_207 : vector<1x1x16xf32> to vector<16xf32>
        %swap3A_209 = vector.shape_cast %add3A_202 : vector<16xf32> to vector<1x1x16xf32>
        tpu.vector_store %arg7[%swap3A_204, %swap3A_205, %swap3A_206], %swap3A_209 {strides = array<i32>} : memref<4x200x64xf32, #tpu.memory_space<vmem>>, vector<1x1x16xf32>,
        %get3A_210 = arith.constant 1 : i32
        %get3A_211 = arith.index_cast %get3A_210 : i32 to index
        %get3A_212 = arith.index_cast %scan3A_110 : i32 to index
        %get3A_213 = arith.constant 16 : index
        %get3A_214 = tpu.vector_load %arg7[%get3A_211, %get3A_212, %get3A_213] {strides = array<i32>} : memref<4x200x64xf32, #tpu.memory_space<vmem>>, vector<1x1x16xf32>,
        %get3A_215 = vector.shape_cast %get3A_214 : vector<1x1x16xf32> to vector<16xf32>
        %mul3A_216 = arith.constant 8.000000e+00 : f32
        %mul3A_217 = vector.broadcast %mul3A_216 : f32 to vector<16xf32>
        %mul3A_218 = arith.mulf %get3A_215, %mul3A_217 : vector<16xf32>
        %add3A_219 = arith.addf %mul3A_218, %get3A_117 : vector<16xf32>
        %swap3A_220 = arith.constant 1 : i32
        %swap3A_221 = arith.index_cast %swap3A_220 : i32 to index
        %swap3A_222 = arith.index_cast %scan3A_110 : i32 to index
        %swap3A_223 = arith.constant 16 : index
        %swap3A_224 = tpu.vector_load %arg7[%swap3A_221, %swap3A_222, %swap3A_223] {strides = array<i32>} : memref<4x200x64xf32, #tpu.memory_space<vmem>>, vector<1x1x16xf32>,
        %swap3A_225 = vector.shape_cast %swap3A_224 : vector<1x1x16xf32> to vector<16xf32>
        %swap3A_226 = vector.shape_cast %add3A_219 : vector<16xf32> to vector<1x1x16xf32>
        tpu.vector_store %arg7[%swap3A_221, %swap3A_222, %swap3A_223], %swap3A_226 {strides = array<i32>} : memref<4x200x64xf32, #tpu.memory_space<vmem>>, vector<1x1x16xf32>,
        %get3A_227 = arith.constant 1 : i32
        %get3A_228 = arith.index_cast %get3A_227 : i32 to index
        %get3A_229 = arith.index_cast %scan3A_110 : i32 to index
        %get3A_230 = arith.constant 32 : index
        %get3A_231 = tpu.vector_load %arg7[%get3A_228, %get3A_229, %get3A_230] {strides = array<i32>} : memref<4x200x64xf32, #tpu.memory_space<vmem>>, vector<1x1x16xf32>,
        %get3A_232 = vector.shape_cast %get3A_231 : vector<1x1x16xf32> to vector<16xf32>
        %mul3A_233 = arith.constant 8.000000e+00 : f32
        %mul3A_234 = vector.broadcast %mul3A_233 : f32 to vector<16xf32>
        %mul3A_235 = arith.mulf %get3A_232, %mul3A_234 : vector<16xf32>
        %add3A_236 = arith.addf %mul3A_235, %get3A_121 : vector<16xf32>
        %swap3A_237 = arith.constant 1 : i32
        %swap3A_238 = arith.index_cast %swap3A_237 : i32 to index
        %swap3A_239 = arith.index_cast %scan3A_110 : i32 to index
        %swap3A_240 = arith.constant 32 : index
        %swap3A_241 = tpu.vector_load %arg7[%swap3A_238, %swap3A_239, %swap3A_240] {strides = array<i32>} : memref<4x200x64xf32, #tpu.memory_space<vmem>>, vector<1x1x16xf32>,
        %swap3A_242 = vector.shape_cast %swap3A_241 : vector<1x1x16xf32> to vector<16xf32>
        %swap3A_243 = vector.shape_cast %add3A_236 : vector<16xf32> to vector<1x1x16xf32>
        tpu.vector_store %arg7[%swap3A_238, %swap3A_239, %swap3A_240], %swap3A_243 {strides = array<i32>} : memref<4x200x64xf32, #tpu.memory_space<vmem>>, vector<1x1x16xf32>,
        %get3A_244 = arith.constant 1 : i32
        %get3A_245 = arith.index_cast %get3A_244 : i32 to index
        %get3A_246 = arith.index_cast %scan3A_110 : i32 to index
        %get3A_247 = arith.constant 48 : index
        %get3A_248 = tpu.vector_load %arg7[%get3A_245, %get3A_246, %get3A_247] {strides = array<i32>} : memref<4x200x64xf32, #tpu.memory_space<vmem>>, vector<1x1x16xf32>,
        %get3A_249 = vector.shape_cast %get3A_248 : vector<1x1x16xf32> to vector<16xf32>
        %mul3A_250 = arith.constant 8.000000e+00 : f32
        %mul3A_251 = vector.broadcast %mul3A_250 : f32 to vector<16xf32>
        %mul3A_252 = arith.mulf %get3A_249, %mul3A_251 : vector<16xf32>
        %add3A_253 = arith.addf %mul3A_252, %get3A_125 : vector<16xf32>
        %swap3A_254 = arith.constant 1 : i32
        %swap3A_255 = arith.index_cast %swap3A_254 : i32 to index
        %swap3A_256 = arith.index_cast %scan3A_110 : i32 to index
        %swap3A_257 = arith.constant 48 : index
        %swap3A_258 = tpu.vector_load %arg7[%swap3A_255, %swap3A_256, %swap3A_257] {strides = array<i32>} : memref<4x200x64xf32, #tpu.memory_space<vmem>>, vector<1x1x16xf32>,
        %swap3A_259 = vector.shape_cast %swap3A_258 : vector<1x1x16xf32> to vector<16xf32>
        %swap3A_260 = vector.shape_cast %add3A_253 : vector<16xf32> to vector<1x1x16xf32>
        tpu.vector_store %arg7[%swap3A_255, %swap3A_256, %swap3A_257], %swap3A_260 {strides = array<i32>} : memref<4x200x64xf32, #tpu.memory_space<vmem>>, vector<1x1x16xf32>,
        %get3A_261 = arith.constant 2 : i32
        %get3A_262 = arith.index_cast %get3A_261 : i32 to index
        %get3A_263 = arith.index_cast %scan3A_110 : i32 to index
        %get3A_264 = arith.constant 0 : index
        %get3A_265 = tpu.vector_load %arg7[%get3A_262, %get3A_263, %get3A_264] {strides = array<i32>} : memref<4x200x64xf32, #tpu.memory_space<vmem>>, vector<1x1x16xf32>,
        %get3A_266 = vector.shape_cast %get3A_265 : vector<1x1x16xf32> to vector<16xf32>
        %mul3A_267 = arith.constant 8.000000e+00 : f32
        %mul3A_268 = vector.broadcast %mul3A_267 : f32 to vector<16xf32>
        %mul3A_269 = arith.mulf %get3A_266, %mul3A_268 : vector<16xf32>
        %add3A_270 = arith.addf %mul3A_269, %get3A_113 : vector<16xf32>
        %swap3A_271 = arith.constant 2 : i32
        %swap3A_272 = arith.index_cast %swap3A_271 : i32 to index
        %swap3A_273 = arith.index_cast %scan3A_110 : i32 to index
        %swap3A_274 = arith.constant 0 : index
        %swap3A_275 = tpu.vector_load %arg7[%swap3A_272, %swap3A_273, %swap3A_274] {strides = array<i32>} : memref<4x200x64xf32, #tpu.memory_space<vmem>>, vector<1x1x16xf32>,
        %swap3A_276 = vector.shape_cast %swap3A_275 : vector<1x1x16xf32> to vector<16xf32>
        %swap3A_277 = vector.shape_cast %add3A_270 : vector<16xf32> to vector<1x1x16xf32>
        tpu.vector_store %arg7[%swap3A_272, %swap3A_273, %swap3A_274], %swap3A_277 {strides = array<i32>} : memref<4x200x64xf32, #tpu.memory_space<vmem>>, vector<1x1x16xf32>,
        %get3A_278 = arith.constant 2 : i32
        %get3A_279 = arith.index_cast %get3A_278 : i32 to index
        %get3A_280 = arith.index_cast %scan3A_110 : i32 to index
        %get3A_281 = arith.constant 16 : index
        %get3A_282 = tpu.vector_load %arg7[%get3A_279, %get3A_280, %get3A_281] {strides = array<i32>} : memref<4x200x64xf32, #tpu.memory_space<vmem>>, vector<1x1x16xf32>,
        %get3A_283 = vector.shape_cast %get3A_282 : vector<1x1x16xf32> to vector<16xf32>
        %mul3A_284 = arith.constant 8.000000e+00 : f32
        %mul3A_285 = vector.broadcast %mul3A_284 : f32 to vector<16xf32>
        %mul3A_286 = arith.mulf %get3A_283, %mul3A_285 : vector<16xf32>
        %add3A_287 = arith.addf %mul3A_286, %get3A_117 : vector<16xf32>
        %swap3A_288 = arith.constant 2 : i32
        %swap3A_289 = arith.index_cast %swap3A_288 : i32 to index
        %swap3A_290 = arith.index_cast %scan3A_110 : i32 to index
        %swap3A_291 = arith.constant 16 : index
        %swap3A_292 = tpu.vector_load %arg7[%swap3A_289, %swap3A_290, %swap3A_291] {strides = array<i32>} : memref<4x200x64xf32, #tpu.memory_space<vmem>>, vector<1x1x16xf32>,
        %swap3A_293 = vector.shape_cast %swap3A_292 : vector<1x1x16xf32> to vector<16xf32>
        %swap3A_294 = vector.shape_cast %add3A_287 : vector<16xf32> to vector<1x1x16xf32>
        tpu.vector_store %arg7[%swap3A_289, %swap3A_290, %swap3A_291], %swap3A_294 {strides = array<i32>} : memref<4x200x64xf32, #tpu.memory_space<vmem>>, vector<1x1x16xf32>,
        %get3A_295 = arith.constant 2 : i32
        %get3A_296 = arith.index_cast %get3A_295 : i32 to index
        %get3A_297 = arith.index_cast %scan3A_110 : i32 to index
        %get3A_298 = arith.constant 32 : index
        %get3A_299 = tpu.vector_load %arg7[%get3A_296, %get3A_297, %get3A_298] {strides = array<i32>} : memref<4x200x64xf32, #tpu.memory_space<vmem>>, vector<1x1x16xf32>,
        %get3A_300 = vector.shape_cast %get3A_299 : vector<1x1x16xf32> to vector<16xf32>
        %mul3A_301 = arith.constant 8.000000e+00 : f32
        %mul3A_302 = vector.broadcast %mul3A_301 : f32 to vector<16xf32>
        %mul3A_303 = arith.mulf %get3A_300, %mul3A_302 : vector<16xf32>
        %add3A_304 = arith.addf %mul3A_303, %get3A_121 : vector<16xf32>
        %swap3A_305 = arith.constant 2 : i32
        %swap3A_306 = arith.index_cast %swap3A_305 : i32 to index
        %swap3A_307 = arith.index_cast %scan3A_110 : i32 to index
        %swap3A_308 = arith.constant 32 : index
        %swap3A_309 = tpu.vector_load %arg7[%swap3A_306, %swap3A_307, %swap3A_308] {strides = array<i32>} : memref<4x200x64xf32, #tpu.memory_space<vmem>>, vector<1x1x16xf32>,
        %swap3A_310 = vector.shape_cast %swap3A_309 : vector<1x1x16xf32> to vector<16xf32>
        %swap3A_311 = vector.shape_cast %add3A_304 : vector<16xf32> to vector<1x1x16xf32>
        tpu.vector_store %arg7[%swap3A_306, %swap3A_307, %swap3A_308], %swap3A_311 {strides = array<i32>} : memref<4x200x64xf32, #tpu.memory_space<vmem>>, vector<1x1x16xf32>,
        %get3A_312 = arith.constant 2 : i32
        %get3A_313 = arith.index_cast %get3A_312 : i32 to index
        %get3A_314 = arith.index_cast %scan3A_110 : i32 to index
        %get3A_315 = arith.constant 48 : index
        %get3A_316 = tpu.vector_load %arg7[%get3A_313, %get3A_314, %get3A_315] {strides = array<i32>} : memref<4x200x64xf32, #tpu.memory_space<vmem>>, vector<1x1x16xf32>,
        %get3A_317 = vector.shape_cast %get3A_316 : vector<1x1x16xf32> to vector<16xf32>
        %mul3A_318 = arith.constant 8.000000e+00 : f32
        %mul3A_319 = vector.broadcast %mul3A_318 : f32 to vector<16xf32>
        %mul3A_320 = arith.mulf %get3A_317, %mul3A_319 : vector<16xf32>
        %add3A_321 = arith.addf %mul3A_320, %get3A_125 : vector<16xf32>
        %swap3A_322 = arith.constant 2 : i32
        %swap3A_323 = arith.index_cast %swap3A_322 : i32 to index
        %swap3A_324 = arith.index_cast %scan3A_110 : i32 to index
        %swap3A_325 = arith.constant 48 : index
        %swap3A_326 = tpu.vector_load %arg7[%swap3A_323, %swap3A_324, %swap3A_325] {strides = array<i32>} : memref<4x200x64xf32, #tpu.memory_space<vmem>>, vector<1x1x16xf32>,
        %swap3A_327 = vector.shape_cast %swap3A_326 : vector<1x1x16xf32> to vector<16xf32>
        %swap3A_328 = vector.shape_cast %add3A_321 : vector<16xf32> to vector<1x1x16xf32>
        tpu.vector_store %arg7[%swap3A_323, %swap3A_324, %swap3A_325], %swap3A_328 {strides = array<i32>} : memref<4x200x64xf32, #tpu.memory_space<vmem>>, vector<1x1x16xf32>,
        %get3A_329 = arith.constant 3 : i32
        %get3A_330 = arith.index_cast %get3A_329 : i32 to index
        %get3A_331 = arith.index_cast %scan3A_110 : i32 to index
        %get3A_332 = arith.constant 0 : index
        %get3A_333 = tpu.vector_load %arg7[%get3A_330, %get3A_331, %get3A_332] {strides = array<i32>} : memref<4x200x64xf32, #tpu.memory_space<vmem>>, vector<1x1x16xf32>,
        %get3A_334 = vector.shape_cast %get3A_333 : vector<1x1x16xf32> to vector<16xf32>
        %mul3A_335 = arith.constant 8.000000e+00 : f32
        %mul3A_336 = vector.broadcast %mul3A_335 : f32 to vector<16xf32>
        %mul3A_337 = arith.mulf %get3A_334, %mul3A_336 : vector<16xf32>
        %add3A_338 = arith.addf %mul3A_337, %get3A_113 : vector<16xf32>
        %swap3A_339 = arith.constant 3 : i32
        %swap3A_340 = arith.index_cast %swap3A_339 : i32 to index
        %swap3A_341 = arith.index_cast %scan3A_110 : i32 to index
        %swap3A_342 = arith.constant 0 : index
        %swap3A_343 = tpu.vector_load %arg7[%swap3A_340, %swap3A_341, %swap3A_342] {strides = array<i32>} : memref<4x200x64xf32, #tpu.memory_space<vmem>>, vector<1x1x16xf32>,
        %swap3A_344 = vector.shape_cast %swap3A_343 : vector<1x1x16xf32> to vector<16xf32>
        %swap3A_345 = vector.shape_cast %add3A_338 : vector<16xf32> to vector<1x1x16xf32>
        tpu.vector_store %arg7[%swap3A_340, %swap3A_341, %swap3A_342], %swap3A_345 {strides = array<i32>} : memref<4x200x64xf32, #tpu.memory_space<vmem>>, vector<1x1x16xf32>,
        %get3A_346 = arith.constant 3 : i32
        %get3A_347 = arith.index_cast %get3A_346 : i32 to index
        %get3A_348 = arith.index_cast %scan3A_110 : i32 to index
        %get3A_349 = arith.constant 16 : index
        %get3A_350 = tpu.vector_load %arg7[%get3A_347, %get3A_348, %get3A_349] {strides = array<i32>} : memref<4x200x64xf32, #tpu.memory_space<vmem>>, vector<1x1x16xf32>,
        %get3A_351 = vector.shape_cast %get3A_350 : vector<1x1x16xf32> to vector<16xf32>
        %mul3A_352 = arith.constant 8.000000e+00 : f32
        %mul3A_353 = vector.broadcast %mul3A_352 : f32 to vector<16xf32>
        %mul3A_354 = arith.mulf %get3A_351, %mul3A_353 : vector<16xf32>
        %add3A_355 = arith.addf %mul3A_354, %get3A_117 : vector<16xf32>
        %swap3A_356 = arith.constant 3 : i32
        %swap3A_357 = arith.index_cast %swap3A_356 : i32 to index
        %swap3A_358 = arith.index_cast %scan3A_110 : i32 to index
        %swap3A_359 = arith.constant 16 : index
        %swap3A_360 = tpu.vector_load %arg7[%swap3A_357, %swap3A_358, %swap3A_359] {strides = array<i32>} : memref<4x200x64xf32, #tpu.memory_space<vmem>>, vector<1x1x16xf32>,
        %swap3A_361 = vector.shape_cast %swap3A_360 : vector<1x1x16xf32> to vector<16xf32>
        %swap3A_362 = vector.shape_cast %add3A_355 : vector<16xf32> to vector<1x1x16xf32>
        tpu.vector_store %arg7[%swap3A_357, %swap3A_358, %swap3A_359], %swap3A_362 {strides = array<i32>} : memref<4x200x64xf32, #tpu.memory_space<vmem>>, vector<1x1x16xf32>,
        %get3A_363 = arith.constant 3 : i32
        %get3A_364 = arith.index_cast %get3A_363 : i32 to index
        %get3A_365 = arith.index_cast %scan3A_110 : i32 to index
        %get3A_366 = arith.constant 32 : index
        %get3A_367 = tpu.vector_load %arg7[%get3A_364, %get3A_365, %get3A_366] {strides = array<i32>} : memref<4x200x64xf32, #tpu.memory_space<vmem>>, vector<1x1x16xf32>,
        %get3A_368 = vector.shape_cast %get3A_367 : vector<1x1x16xf32> to vector<16xf32>
        %mul3A_369 = arith.constant 8.000000e+00 : f32
        %mul3A_370 = vector.broadcast %mul3A_369 : f32 to vector<16xf32>
        %mul3A_371 = arith.mulf %get3A_368, %mul3A_370 : vector<16xf32>
        %add3A_372 = arith.addf %mul3A_371, %get3A_121 : vector<16xf32>
        %swap3A_373 = arith.constant 3 : i32
        %swap3A_374 = arith.index_cast %swap3A_373 : i32 to index
        %swap3A_375 = arith.index_cast %scan3A_110 : i32 to index
        %swap3A_376 = arith.constant 32 : index
        %swap3A_377 = tpu.vector_load %arg7[%swap3A_374, %swap3A_375, %swap3A_376] {strides = array<i32>} : memref<4x200x64xf32, #tpu.memory_space<vmem>>, vector<1x1x16xf32>,
        %swap3A_378 = vector.shape_cast %swap3A_377 : vector<1x1x16xf32> to vector<16xf32>
        %swap3A_379 = vector.shape_cast %add3A_372 : vector<16xf32> to vector<1x1x16xf32>
        tpu.vector_store %arg7[%swap3A_374, %swap3A_375, %swap3A_376], %swap3A_379 {strides = array<i32>} : memref<4x200x64xf32, #tpu.memory_space<vmem>>, vector<1x1x16xf32>,
        %get3A_380 = arith.constant 3 : i32
        %get3A_381 = arith.index_cast %get3A_380 : i32 to index
        %get3A_382 = arith.index_cast %scan3A_110 : i32 to index
        %get3A_383 = arith.constant 48 : index
        %get3A_384 = tpu.vector_load %arg7[%get3A_381, %get3A_382, %get3A_383] {strides = array<i32>} : memref<4x200x64xf32, #tpu.memory_space<vmem>>, vector<1x1x16xf32>,
        %get3A_385 = vector.shape_cast %get3A_384 : vector<1x1x16xf32> to vector<16xf32>
        %mul3A_386 = arith.constant 8.000000e+00 : f32
        %mul3A_387 = vector.broadcast %mul3A_386 : f32 to vector<16xf32>
        %mul3A_388 = arith.mulf %get3A_385, %mul3A_387 : vector<16xf32>
        %add3A_389 = arith.addf %mul3A_388, %get3A_125 : vector<16xf32>
        %swap3A_390 = arith.constant 3 : i32
        %swap3A_391 = arith.index_cast %swap3A_390 : i32 to index
        %swap3A_392 = arith.index_cast %scan3A_110 : i32 to index
        %swap3A_393 = arith.constant 48 : index
        %swap3A_394 = tpu.vector_load %arg7[%swap3A_391, %swap3A_392, %swap3A_393] {strides = array<i32>} : memref<4x200x64xf32, #tpu.memory_space<vmem>>, vector<1x1x16xf32>,
        %swap3A_395 = vector.shape_cast %swap3A_394 : vector<1x1x16xf32> to vector<16xf32>
        %swap3A_396 = vector.shape_cast %add3A_389 : vector<16xf32> to vector<1x1x16xf32>
        tpu.vector_store %arg7[%swap3A_391, %swap3A_392, %swap3A_393], %swap3A_396 {strides = array<i32>} : memref<4x200x64xf32, #tpu.memory_space<vmem>>, vector<1x1x16xf32>,
      }
      %scan3A_109 = arith.constant 200 : i32
      "tpu.region"() ({
        %run_scoped3A = tpu.sem_alloc : memref<!tpu.dma_semaphore, #tpu.memory_space<semaphore_mem>>
        %dma_start3A_110 = arith.constant 0 : i32
        %dma_start3A_111 = arith.constant 0 : i32
        %dma_start3A_112 = tpu.memref_slice %arg5[%add3A_10, %dma_start3A_110, %dma_start3A_111] : memref<4096x200x64xf32, #tpu.memory_space<hbm>> -> memref<4x200x64xf32, #tpu.memory_space<hbm>>
        %dma_start3A_113 = arith.constant 0 : i32
        %dma_start3A_114 = arith.constant 0 : i32
        %dma_start3A_115 = tpu.memref_slice %arg5[%add3A_10, %dma_start3A_113, %dma_start3A_114] : memref<4096x200x64xf32, #tpu.memory_space<hbm>> -> memref<4x200x64xf32, #tpu.memory_space<hbm>>
        tpu.enqueue_dma source(%arg7 : memref<4x200x64xf32, #tpu.memory_space<vmem>>) target(%dma_start3A_115 : memref<4x200x64xf32, #tpu.memory_space<hbm>>) target_semaphore(%run_scoped3A : memref<!tpu.dma_semaphore, #tpu.memory_space<semaphore_mem>>)
        %dma_wait3A_116 = arith.constant 0 : i32
        %dma_wait3A_117 = arith.constant 0 : i32
        %dma_wait3A_118 = tpu.memref_slice %arg5[%add3A_10, %dma_wait3A_116, %dma_wait3A_117] : memref<4096x200x64xf32, #tpu.memory_space<hbm>> -> memref<4x200x64xf32, #tpu.memory_space<hbm>>
        %dma_wait3A_119 = arith.constant 0 : i32
        %dma_wait3A_120 = arith.constant 0 : i32
        %dma_wait3A_121 = tpu.memref_slice %arg5[%add3A_10, %dma_wait3A_119, %dma_wait3A_120] : memref<4096x200x64xf32, #tpu.memory_space<hbm>> -> memref<4x200x64xf32, #tpu.memory_space<hbm>>
        tpu.wait_dma2 semaphore(%run_scoped3A : memref<!tpu.dma_semaphore, #tpu.memory_space<semaphore_mem>>) src(%arg7 : memref<4x200x64xf32, #tpu.memory_space<vmem>>) dst(%dma_wait3A_121 : memref<4x200x64xf32, #tpu.memory_space<hbm>>)
        tpu.yield
      }) : () -> ()
    }
    %scan3A_4 = arith.constant 32 : i32
    return
  }
}

</mosaic_0001>

<sc_bundles>
// kernel: kernel.3.cloned.1.call-start
scs
__scs_entry_jumppad:
0x0: {  	(pc) =	sbr.rel $0x88, $3  }
0x1: {  	(tag) =	ssettag $0x0;
	lr =	simm.s32 $0x1  }
0x2: {  	[smem:$0x3F9E] =	sst lr;
	_ =	strace $0xD0000000  }
0x3: {  	_ = 	snop  }
0x4: {  	_ = 	snop  }
0x5: {  	_ = 	snop  }
0x6: {  	_ = 	snop  }
0x7: {  	_ = 	snop  }
__scs_overlays_trampoline_lowered:
0x8: {  	[smem:$0x3FAD] =	sst s0  }
0x9: {  	[smem:$0x3FAE] =	sst s1  }
0xa: {  	[smem:$0x3FAF] =	sst s2  }
0xb: {  	[smem:$0x3FB0] =	sst s3  }
0xc: {  	[smem:$0x3FB1] =	sst s4  }
0xd: {  	[smem:$0x3FB2] =	sst s5  }
0xe: {  	[smem:$0x3FB3] =	sst s6  }
0xf: {  	[smem:$0x3FB4] =	sst s7  }
0x10: {  	[smem:$0x3FB5] =	sst s8  }
0x11: {  	[smem:$0x3FB6] =	sst s9;
	s0 =	simm.s32 @!p0 $0x0  }
0x12: {  	s1 =	sld [smem:$0x3F9C];
	s0 =	simm.s32 @p0 $0x1  }
0x13: {  	[smem:$0x3FB7] =	sst s0;
	s0 =	simm.s32 @!p1 $0x0  }
0x14: {  	s2 =	sld [smem:$0x3F9B];
	s0 =	simm.s32 @p1 $0x1  }
0x15: {  	[smem:$0x3FB8] =	sst s0;
	s0 =	simm.s32 @!p2 $0x0  }
0x16: {  	s3 =	sld [smem:$0x3FDB];
	s0 =	simm.s32 @p2 $0x1  }
0x17: {  	s4 =	simm.s32 $0x1BF5;
	[smem:$0x3FBA] =	sst s0  }
0x18: {  	s0 =	sld [smem:$0x3F9D];
	_ =	swait.ge [sflag:s4], $0x0  }
0x19: {  	s7 =	sld [smem:$0x3F9E]  }
0x1a: {  	s8 =	sadd.s32 $0xFFFFE003, lr  }
0x1b: {  	s9 =	sadd.s32 $0xFFFFFEF7, lr;
	s5 =	simm.s32 $0xFFFFFFFF;
	p2 =	slt.u32 s8, $0xFFFFF086  }
0x1c: {  	p1 =	slt.u32 s9, $0xF7A;
	s5 =	simm.s32 @!p2 $0x0  }
0x1d: {  	s5 =	simm.s32 @p1 $0x1;
	p0 =	seq.s32 s7, s2  }
0x1e: {  	s7 =	smul.u32 @!p0 $0xF7A, s2;
	p2 =	seq.s32 @!p0 s5, $0x0  }
0x1f: {  	s9 =	smul.u32 $0xF7A, s1;
	s8 =	simm.s32 @!p0 $0x1BF5;
	p2 =	por !p2, p0  }
0x20: {  	[sflag:s8] =	ssyncset.s32 @!p0 $0xFFFFF086;
	s6 =	sadd.s32 @!p0 s3, s7;
	s7 =	simm.s32 @!p0 $0x108  }
0x21: {  	s3 =	sadd.s32 s3, s9;
	s6 =	sadd.s32 @!p0 $0x88, s6;
	s7 =	simm.s32 @p2 $0x1082  }
0x22: {  	[simem:s7], [sflag:s8] =	dma.local @!p0 [hbm:s6], $0xF7A  }
0x23: {  	s9 =	sor.u32 $0xD0000000, s2;
	s6 =	simm.s32 $0x108;
	_ =	swait.ge @!p0 [sflag:s8], $0x0  }
0x24: {  	s3 =	sadd.s32 $0x88, s3;
	s6 =	simm.s32 @!p1 $0x1082;
	[sflag:s4] =	ssyncset.s32 $0xFFFFF086  }
0x25: {  	[simem:s6], [sflag:s4] =	dma.local [hbm:s3], $0xF7A  }
0x26: {  	[smem:$0x3F9E] =	sst s1;
	(tag) =	ssettag s2;
	_ =	strace s9  }
0x27: {  	s1 =	sld [smem:$0x3FAE]  }
0x28: {  	s2 =	sld [smem:$0x3FAF]  }
0x29: {  	s4 =	sld [smem:$0x3FB1]  }
0x2a: {  	p0 =	seq.s32 s5, $0x0;
	s5 =	sld [smem:$0x3FB2]  }
0x2b: {  	s6 =	sld [smem:$0x3FB3]  }
0x2c: {  	s7 =	sld [smem:$0x3FB4]  }
0x2d: {  	s3 =	simm.s32 $0x108;
	s8 =	sld [smem:$0x3FB5]  }
0x2e: {  	s3 =	simm.s32 @!p0 $0x1082;
	s9 =	sld [smem:$0x3FB6]  }
0x2f: {  	lr =	sadd.s32 s0, s3;
	s0 =	sld [smem:$0x3FAD]  }
0x30: {  	s3 =	sld [smem:$0x3FB0]  }
0x31: {  	[smem:$0x3FB9] =	sst s10  }
0x32: {  	s10 =	sld [smem:$0x3FB7];
	_ =	sdelay $0x3  }
0x33: {  	p0 =	seq.s32 s10, $0x1;
	s10 =	sld [smem:$0x3FB9];
	_ =	sdelay $0x3  }
0x34: {  	[smem:$0x3FB9] =	sst s10  }
0x35: {  	s10 =	sld [smem:$0x3FB8];
	_ =	sdelay $0x3  }
0x36: {  	p1 =	seq.s32 s10, $0x1;
	s10 =	sld [smem:$0x3FB9];
	_ =	sdelay $0x3  }
0x37: {  	[smem:$0x3FB9] =	sst s10  }
0x38: {  	s10 =	sld [smem:$0x3FBA]  }
0x39: {  	_ = 	snop;
	(pc) =	sbr.ind lr, $3  }
0x3a: {  	_ = 	snop  }
0x3b: {  	_ = 	snop  }
0x3c: {  	p2 =	seq.s32 s10, $0x1;
	s10 =	sld [smem:$0x3FB9]  }
0x3d: {  	_ =	shalt  }
0x3e: {  	_ =	shalt  }
0x3f: {  	_ =	shalt  }
0x40: {  	_ =	shalt  }
0x41: {  	_ =	shalt  }
0x42: {  	_ =	shalt  }
0x43: {  	_ =	shalt  }
0x44: {  	_ =	shalt  }
0x45: {  	_ =	shalt  }
0x46: {  	_ =	shalt  }
0x47: {  	_ =	shalt  }
0x48: {  	_ =	shalt  }
0x49: {  	_ =	shalt  }
0x4a: {  	_ =	shalt  }
0x4b: {  	_ =	shalt  }
0x4c: {  	_ =	shalt  }
0x4d: {  	_ =	shalt  }
0x4e: {  	_ =	shalt  }
0x4f: {  	_ =	shalt  }
0x50: {  	_ =	shalt  }
0x51: {  	_ =	shalt  }
0x52: {  	_ =	shalt  }
0x53: {  	_ =	shalt  }
0x54: {  	_ =	shalt  }
0x55: {  	_ =	shalt  }
0x56: {  	_ =	shalt  }
0x57: {  	_ =	shalt  }
0x58: {  	_ =	shalt  }
0x59: {  	_ =	shalt  }
0x5a: {  	_ =	shalt  }
0x5b: {  	_ =	shalt  }
0x5c: {  	_ =	shalt  }
0x5d: {  	_ =	shalt  }
0x5e: {  	_ =	shalt  }
0x5f: {  	_ =	shalt  }
0x60: {  	_ =	shalt  }
0x61: {  	_ =	shalt  }
0x62: {  	_ =	shalt  }
0x63: {  	_ =	shalt  }
0x64: {  	_ =	shalt  }
0x65: {  	_ =	shalt  }
0x66: {  	_ =	shalt  }
0x67: {  	_ =	shalt  }
0x68: {  	_ =	shalt  }
0x69: {  	_ =	shalt  }
0x6a: {  	_ =	shalt  }
0x6b: {  	_ =	shalt  }
0x6c: {  	_ =	shalt  }
0x6d: {  	_ =	shalt  }
0x6e: {  	_ =	shalt  }
0x6f: {  	_ =	shalt  }
0x70: {  	_ =	shalt  }
0x71: {  	_ =	shalt  }
0x72: {  	_ =	shalt  }
0x73: {  	_ =	shalt  }
0x74: {  	_ =	shalt  }
0x75: {  	_ =	shalt  }
0x76: {  	_ =	shalt  }
0x77: {  	_ =	shalt  }
0x78: {  	_ =	shalt  }
0x79: {  	_ =	shalt  }
0x7a: {  	_ =	shalt  }
0x7b: {  	_ =	shalt  }
0x7c: {  	_ =	shalt  }
0x7d: {  	_ =	shalt  }
0x7e: {  	_ =	shalt  }
0x7f: {  	_ =	shalt  }
0x80: {  	_ =	shalt  }
0x81: {  	_ =	shalt  }
0x82: {  	_ =	shalt  }
0x83: {  	_ =	shalt  }
0x84: {  	_ =	shalt  }
0x85: {  	_ =	shalt  }
0x86: {  	_ =	shalt  }
0x87: {  	_ =	shalt  }
.Lfunc_end0:
.L_simem_size_0:
called_computation.1_lowered:
.L_overlay_start_0:
0x88: {  	s2 =	sld [smem:$0x3FD9]  }
0x89: {  	s3 =	sld [smem:$0x3FFE];
	_ =	sdelay $0x1  }
0x8a: {  	s1 =	srdreg.scid  }
0x8b: {  	s0 =	sand.u32 $0x1, s1  }
0x8c: {  	s17 =	sshll.u32 s0, $0xA;
	s2 =	sadd.s32 s3, s2  }
0x8d: {  	s2 =	sadd.s32 s2, s17  }
0x8e: {  	[smem:$0x3FC5] =	sst s2  }
0x8f: {  	_ = 	snop  }
0x90: {  	s2 =	sld [smem:$0x3FD0];
	(tm) =	ssettm $0x1  }
0x91: {  	s18 =	sld [smem:$0x3FFB];
	_ =	sdelay $0x3  }
0x92: {  	_ =	strace s18  }
0x93: {  	s3 =	sld [smem:$0x3FFC];
	_ =	sdelay $0x3  }
0x94: {  	_ =	strace s3  }
0x95: {  	s3 =	sld [smem:$0x3FFD];
	_ =	sdelay $0x3  }
0x96: {  	_ =	strace s3  }
0x97: {  	_ =	strace $0x8FFFFFFF  }
0x98: {  	s19 =	sld [smem:$0x3FDB];
	_ =	sdelay $0x1  }
0x99: {  	s4 =	simm.s32 $_scs_section_size  }
0x9a: {  	s5 =	simm.s32 $_size__tile_overlayer_lowered;
	s6 =	simm.s32 $_tile_overlayer_lowered  }
0x9b: {  	s22 =	simm.s32 $0x1BFF;
	s21 =	sshll.u32 s6, $0x1;
	s3 =	sadd.s32 s4, s19  }
0x9c: {  	s7 =	simm.s32 $0x0;
	s20 =	sshll.u32 s5, $0x1;
	s5 =	sadd.s32 s21, s3  }
0x9d: {  	[timem:s7], [sflag:s22] =	dma.local [hbm:s5], s20  }
0x9e: {  	_ =	swait.ge [sflag:s22], s20  }
0x9f: {  	s4 =	ssub.s32 $0x0, s20;
	[sflag:s22] =	ssyncset.done $0x0  }
0xa0: {  	[sflag:s22] =	ssyncadd.s32 s4;
	_ =	sdelay $0x1  }
0xa1: {  	s23 =	simm.s32 $0x1B8B  }
0xa2: {  	_ =	swait.ge [sflag:s23], $0x1  }
0xa3: {  	[sflag:s23] =	ssyncset.done $0x0  }
0xa4: {  	s25 =	simm.s32 $0x1B8E;
	s24 =	sld [smem:$0x3FFE];
	[sflag:s23] =	ssyncadd.s32 $0xFFFFFFFF  }
0xa5: {  	s26 =	simm.s32 $execute0_lowered;
	[smem:$0x3FD2] =	sst s25  }
0xa6: {  	s5 =	sshll.u32 s26, $0x1;
	_ =	strace $0x80000046;
	[dreg:$0x1] =	wrdreg $0xFFFFFFFF  }
0xa7: {  	s28 =	simm.s32 $_size_execute0_lowered;
	s3 =	sadd.s32 s3, s5;
	[dreg:$0x0] =	wrdreg $0x0  }
0xa8: {  	s5 =	sshll.u32 s28, $0x1;
	[dreg:$0x2] =	wrdreg s3  }
0xa9: {  	[dreg:$0x3] =	wrdreg s5  }
0xaa: {  	[dreg:$0x4] =	wrdreg $0xC0  }
0xab: {  	_ =	task [dreg:s7], $0x5FFFF  }
0xac: {  	[dreg:$0x1] =	wrdreg $0xFFFFFFFF  }
0xad: {  	[dreg:$0x0] =	wrdreg $0x60  }
0xae: {  	[dreg:$0x2] =	wrdreg s24  }
0xaf: {  	[dreg:$0x3] =	wrdreg s2  }
0xb0: {  	[dreg:$0x4] =	wrdreg $0x9  }
0xb1: {  	_ =	task.clear_ibuf [dreg:s7], $0x5FFFF;
	_ =	strace $0x90000046  }
0xb2: {  	s29 =	simm.s32 $0x9;
	_ =	strace $0x80000048  }
0xb3: {  	_ =	swait.ge [sflag:s29], $0x1  }
0xb4: {  	[sflag:s29] =	ssyncadd.s32 $0xFFFFFFFF  }
0xb5: {  	_ =	strace $0x90000048  }
0xb6: {  	_ =	sfence  }
0xb7: {  	s30 =	sld [smem:$0x0];
	_ =	sdelay $0x2  }
0xb8: {  	s31 =	sshll.u32 s1, $0xD;
	s1 =	sshrl.u32 s1, $0x2  }
0xb9: {  	s3 =	sand.u32 $0x4000, s31;
	s1 =	sadd.s32 s1, s30  }
0xba: {  	s0 =	sor.u32 s3, s0;
	s1 =	sshll.u32 s1, $0x11  }
0xbb: {  	s0 =	sor.u32 s1, s0  }
0xbc: {  	s0 =	sadd.s32 $0x8F2B, s0  }
0xbd: {  	[sflag:s0] =	ssyncadd.remote.s32 $0x1  }
0xbe: {  	_ =	sfence.sel $0xFFFF  }
0xbf: {  	[dreg:$0x0] =	wrdreg $0xFFFFFFFF;
	(pc) =	sbr.abs _section_cstart, $3  }
0xc0: {  	[dreg:$0x1] =	wrdreg $0xFFFFFFFF  }
0xc1: {  	_ =	task.clear_ibuf [dreg:s7], $0x2FFFF;
	_ =	strace $0x9FFFFFFF  }
0xc2: {  	(tm) =	ssettm $0x7FFFFFFF  }
0xc3: {  	_ =	shalt  }
tec
execute0_lowered:
.L_overlay_start_1:
0x0: {  	(tag) =	ssettag $0x1  }
0x1: {  	s6 =	rddreg [dreg:$0x0]  }
0x2: {  	s1 =	rddreg [dreg:$0x1]  }
0x3: {  	s0 =	rddreg [dreg:$0x2]  }
0x4: {  	s2 =	simm.s32 $0x0;
	s3 =	srdreg.scid;
	s11 =	simm.s32 $0xC8  }
0x5: {  	s12 =	simm.s32 $0x320;
	s13 =	simm.s32 $0x3520;
	s14 =	simm.s32 $0x190  }
0x6: {  	s15 =	simm.s32 $0x6720;
	s16 =	simm.s32 $0x258;
	s17 =	simm.s32 $0x9920  }
0x7: {  	s18 =	simm.s32 $0x1;
	s19 =	simm.s32 $0x0;
	[smem:$0x7FF] =	sst s2  }
0x8: {  	s4 =	sadd.s32 $0xC00, s6;
	s7 =	sand.u32 $0x1, s3;
	s5 =	sadd.s32 $0xF43000, s6  }
0x9: {  	s3 =	stileid.u32;
	s6 =	sadd.s32 $0x19C00, s6;
	s8 =	ssub.s32 $0x2, s7  }
0xa: {  	s10 =	sshll.u32 s3, $0x8;
	s7 =	sshll.u32 s7, $0x7;
	s9 =	sshrl.u32 s8, $0x1  }
0xb: {  	_ =	strace $0x80000047;
	s7 =	sor.u32 s7, s10;
	s8 =	ssub.s32 s8, s9  }
0xc: {  	s10 =	simm.s32 $0x2;
	s9 =	simm.s32 $0xCB20;
	s8 =	smax.u32 s8, $0x1  }
.LBB2_1:
0xd: {  	[tilespmem:s9], [sflag:$0x2] =	stream.linear.gather [hbm4b:s6+s2], $0x3200, $0x38;
	[tilespmem:$0xFD20] =	vst v63  }
0xe: {  	_ =	swait.ge [sflag:s10], $0x3200  }
0xf: {  	[sflag:s10] =	ssyncset.done $0x0  }
0x10: {  	s20 =	simm.s32 $0x0;
	[sflag:s10] =	ssyncadd.s32 $0xFFFFCE00  }
.LBB2_2:
0x11: {  	s21 =	sshll.u32 s20, $0x2  }
0x12: {  	s21 =	sadd.s32 s7, s21  }
0x13: {  	s22 =	smul.u32 $0x19, s21;
	_ =	sdelay $0x1  }
0x14: {  	s23 =	simm.s32 $0x0;
	s22 =	sadd.s32 s4, s22  }
0x15: {  	[tilespmem:s23], [sflag:$0x2] =	stream.linear.gather [hbm4b:s22+s23], $0x320, $0x38;
	[tilespmem:$0xFD20] =	vst v63  }
0x16: {  	_ =	swait.ge [sflag:s10], $0x320  }
0x17: {  	[sflag:s10] =	ssyncset.done $0x0  }
0x18: {  	[sflag:s10] =	ssyncadd.s32 $0xFFFFFCE0  }
0x19: {  	[tilespmem:s12], [sflag:$0x1] =	stream.indirect.gather [hbm4b:s5+s11], $0x40, s23, s11, $0xb8;
	[tilespmem:$0xFD20] =	vst v63  }
0x1a: {  	_ = 	snop  }
0x1b: {  	[tilespmem:s13], [sflag:$0x1] =	stream.indirect.gather [hbm4b:s5+s11], $0x40, s11, s11, $0xb8;
	[tilespmem:$0xFD20] =	vst v63  }
0x1c: {  	_ = 	snop  }
0x1d: {  	[tilespmem:s15], [sflag:$0x1] =	stream.indirect.gather [hbm4b:s5+s11], $0x40, s14, s11, $0xb8;
	[tilespmem:$0xFD20] =	vst v63  }
0x1e: {  	_ = 	snop  }
0x1f: {  	[tilespmem:s17], [sflag:$0x1] =	stream.indirect.gather [hbm4b:s5+s11], $0x40, s16, s11, $0xb8;
	[tilespmem:$0xFD20] =	vst v63  }
0x20: {  	_ =	swait.ge [sflag:s18], $0x3200  }
0x21: {  	[sflag:s18] =	ssyncset.done $0x0  }
0x22: {  	[sflag:s18] =	ssyncadd.s32 $0xFFFFCE00  }
0x23: {  	_ =	swait.ge [sflag:s18], $0x3200  }
0x24: {  	[sflag:s18] =	ssyncset.done $0x0  }
0x25: {  	[sflag:s18] =	ssyncadd.s32 $0xFFFFCE00  }
0x26: {  	_ =	swait.ge [sflag:s18], $0x3200  }
0x27: {  	[sflag:s18] =	ssyncset.done $0x0  }
0x28: {  	[sflag:s18] =	ssyncadd.s32 $0xFFFFCE00  }
0x29: {  	_ =	swait.ge [sflag:s18], $0x3200  }
0x2a: {  	[sflag:s18] =	ssyncset.done $0x0  }
0x2b: {  	s22 =	simm.s32 $0x0;
	[sflag:s18] =	ssyncadd.s32 $0xFFFFCE00  }
0x2c: {  	v3 =	vld [tilespmem:s22+$0xCB20]  }
0x2d: {  	v2 =	vld [tilespmem:s22+$0xCB30]  }
0x2e: {  	v4 =	vld [tilespmem:s22+$0x320]  }
0x2f: {  	v1 =	vld [tilespmem:s22+$0xCB40]  }
0x30: {  	v0 =	vld [tilespmem:s22+$0xCB50]  }
0x31: {  	v5 =	vld [tilespmem:s22+$0x330]  }
0x32: {  	v7 =	vld [tilespmem:s22+$0x350]  }
0x33: {  	v6 =	vld [tilespmem:s22+$0x340];
	v4 =	vmul.f32 $8.000000000e+00, v4  }
0x34: {  	v8 =	vld [tilespmem:s22+$0x3520]  }
0x35: {  	v9 =	vld [tilespmem:s22+$0x3530];
	v4 =	vadd.f32 v4, v3  }
0x36: {  	v10 =	vld [tilespmem:s22+$0x3540];
	v5 =	vmul.f32 $8.000000000e+00, v5  }
0x37: {  	v11 =	vld [tilespmem:s22+$0x3550];
	[tilespmem:s22+$0x320] =	vst v4;
	v4 =	vmul.f32 $8.000000000e+00, v7  }
0x38: {  	v12 =	vld [tilespmem:s22+$0x6720];
	v6 =	vmul.f32 $8.000000000e+00, v6;
	v5 =	vadd.f32 v5, v2  }
0x39: {  	v13 =	vld [tilespmem:s22+$0x6730];
	v7 =	vmul.f32 $8.000000000e+00, v8;
	v8 =	vadd.f32 v4, v0  }
0x3a: {  	v9 =	vmul.f32 $8.000000000e+00, v9;
	v6 =	vadd.f32 v6, v1;
	[tilespmem:s22+$0x330] =	vst v5;
	v5 =	vld [tilespmem:s22+$0x6740]  }
0x3b: {  	v4 =	vld [tilespmem:s22+$0x6750];
	v7 =	vadd.f32 v7, v3;
	[tilespmem:s22+$0x350] =	vst v8;
	v8 =	vmul.f32 $8.000000000e+00, v10  }
0x3c: {  	v9 =	vadd.f32 v9, v2;
	[tilespmem:s22+$0x340] =	vst v6;
	v6 =	vld [tilespmem:s22+$0x9920];
	v10 =	vmul.f32 $8.000000000e+00, v11  }
0x3d: {  	v12 =	vmul.f32 $8.000000000e+00, v12;
	[tilespmem:s22+$0x3520] =	vst v7;
	v7 =	vld [tilespmem:s22+$0x9930];
	v11 =	vadd.f32 v8, v1  }
0x3e: {  	s23 =	simm.s32 $0x100;
	[tilespmem:s22+$0x3530] =	vst v9;
	v9 =	vadd.f32 v10, v0;
	v10 =	vmul.f32 $8.000000000e+00, v13;
	v8 =	vld [tilespmem:s22+$0x9940]  }
.LBB2_3:
0x3f: {  	s24 =	sshra.s32 s23, $0x2;
	p0 =	sne.s32 s23, $0xC700;
	[tilespmem:s22+$0x3540] =	vst v11;
	v11 =	vadd.f32 v12, v3;
	v5 =	vmul.f32 $8.000000000e+00, v5;
	v12 =	vld [tilespmem:s22+$0x9950]  }
0x40: {  	v13 =	vld [tilespmem:s24+$0xCB20];
	[tilespmem:s22+$0x3550] =	vst v9;
	v9 =	vadd.f32 v10, v2;
	v4 =	vmul.f32 $8.000000000e+00, v4  }
0x41: {  	v10 =	vld [tilespmem:s24+$0xCB30];
	[tilespmem:s22+$0x6720] =	vst v11;
	v5 =	vadd.f32 v5, v1;
	v6 =	vmul.f32 $8.000000000e+00, v6  }
0x42: {  	v11 =	vld [tilespmem:s24+$0xCB40];
	[tilespmem:s22+$0x6730] =	vst v9;
	v4 =	vadd.f32 v4, v0;
	v7 =	vmul.f32 $8.000000000e+00, v7  }
0x43: {  	v9 =	vld [tilespmem:s24+$0xCB50];
	[tilespmem:s22+$0x6740] =	vst v5;
	v14 =	vadd.f32 v6, v3;
	v5 =	vmul.f32 $8.000000000e+00, v8  }
0x44: {  	v6 =	vld [tilespmem:s24+$0x320];
	[tilespmem:s22+$0x6750] =	vst v4;
	v8 =	vadd.f32 v7, v2;
	v4 =	vmul.f32 $8.000000000e+00, v12  }
0x45: {  	v7 =	vld [tilespmem:s24+$0x330];
	[tilespmem:s22+$0x9920] =	vst v14;
	v12 =	vadd.f32 v5, v1;
	v3 =	vmov v13  }
0x46: {  	v5 =	vld [tilespmem:s24+$0x340];
	[tilespmem:s22+$0x9930] =	vst v8;
	v13 =	vadd.f32 v4, v0;
	v2 =	vmov v10  }
0x47: {  	v4 =	vld [tilespmem:s24+$0x350];
	[tilespmem:s22+$0x9940] =	vst v12;
	v1 =	vmov v11  }
0x48: {  	v8 =	vld [tilespmem:s24+$0x3520];
	[tilespmem:s22+$0x9950] =	vst v13;
	v0 =	vmov v9;
	s22 =	smov.u32 s24  }
0x49: {  	v6 =	vmul.f32 $8.000000000e+00, v6;
	v9 =	vld [tilespmem:s22+$0x3530]  }
0x4a: {  	v7 =	vmul.f32 $8.000000000e+00, v7;
	v10 =	vld [tilespmem:s22+$0x3540]  }
0x4b: {  	v6 =	vadd.f32 v6, v3;
	v5 =	vmul.f32 $8.000000000e+00, v5;
	v11 =	vld [tilespmem:s22+$0x3550]  }
0x4c: {  	v7 =	vadd.f32 v7, v2;
	v4 =	vmul.f32 $8.000000000e+00, v4;
	v12 =	vld [tilespmem:s22+$0x6720]  }
0x4d: {  	[tilespmem:s22+$0x320] =	vst v6;
	v6 =	vadd.f32 v5, v1;
	v8 =	vmul.f32 $8.000000000e+00, v8;
	v13 =	vld [tilespmem:s22+$0x6730]  }
.Ltmp0:
0x4e: {  	[tilespmem:s22+$0x330] =	vst v7;
	v7 =	vadd.f32 v4, v0;
	v9 =	vmul.f32 $8.000000000e+00, v9;
	v5 =	vld [tilespmem:s22+$0x6740];
	(pc) =	sbr.rel @p0 .LBB2_3-.Ltmp0, $4  }
0x4f: {  	[tilespmem:s22+$0x340] =	vst v6;
	v8 =	vadd.f32 v8, v3;
	v10 =	vmul.f32 $8.000000000e+00, v10;
	v4 =	vld [tilespmem:s22+$0x6750]  }
0x50: {  	[tilespmem:s22+$0x350] =	vst v7;
	v9 =	vadd.f32 v9, v2;
	v14 =	vmul.f32 $8.000000000e+00, v11;
	v6 =	vld [tilespmem:s22+$0x9920]  }
0x51: {  	[tilespmem:s22+$0x3520] =	vst v8;
	v11 =	vadd.f32 v10, v1;
	v12 =	vmul.f32 $8.000000000e+00, v12;
	v7 =	vld [tilespmem:s22+$0x9930]  }
0x52: {  	s23 =	sadd.s32 $0x100, s23;
	[tilespmem:s22+$0x3530] =	vst v9;
	v9 =	vadd.f32 v14, v0;
	v10 =	vmul.f32 $8.000000000e+00, v13;
	v8 =	vld [tilespmem:s22+$0x9940]  }
0x53: {  	[tilespmem:s22+$0x3540] =	vst v11;
	v55 =	vadd.f32 v12, v3;
	v5 =	vmul.f32 $8.000000000e+00, v5;
	v56 =	vld [tilespmem:s22+$0x9950]  }
0x54: {  	[tilespmem:s22+$0x3550] =	vst v9;
	v57 =	vadd.f32 v10, v2;
	v4 =	vmul.f32 $8.000000000e+00, v4  }
0x55: {  	[tilespmem:s22+$0x6720] =	vst v55;
	v5 =	vadd.f32 v5, v1;
	v6 =	vmul.f32 $8.000000000e+00, v6  }
0x56: {  	[tilespmem:s22+$0x6730] =	vst v57;
	v4 =	vadd.f32 v4, v0;
	v7 =	vmul.f32 $8.000000000e+00, v7  }
0x57: {  	[tilespmem:s22+$0x6740] =	vst v5;
	v58 =	vadd.f32 v6, v3;
	v59 =	vmul.f32 $8.000000000e+00, v8  }
0x58: {  	[tilespmem:s22+$0x6750] =	vst v4;
	v60 =	vadd.f32 v7, v2;
	v61 =	vmul.f32 $8.000000000e+00, v56  }
0x59: {  	[tilespmem:s22+$0x9920] =	vst v58;
	v62 =	vadd.f32 v59, v1  }
0x5a: {  	s21 =	smul.u32 $0x640, s21;
	s20 =	sadd.s32 $0x1, s20;
	[tilespmem:s22+$0x9930] =	vst v60;
	v63 =	vadd.f32 v61, v0  }
0x5b: {  	p0 =	sne.s32 s20, $0x20;
	[tilespmem:s22+$0x9940] =	vst v62  }
.Ltmp1:
0x5c: {  	s21 =	sadd.s32 s1, s21;
	[tilespmem:s22+$0x9950] =	vst v63;
	(pc) =	sbr.rel @p0 .LBB2_2-.Ltmp1, $4  }
0x5d: {  	[hbm4b:s21+s2] =	stream.linear.scatter [tilespmem:s12], [sflag:$0x2], $0xC800, $0x38;
	[tilespmem:$0xFD20] =	vst v63  }
0x5e: {  	_ =	swait.ge [sflag:s10], $0xC800  }
0x5f: {  	[sflag:s10] =	ssyncset.done $0x0  }
0x60: {  	[sflag:s10] =	ssyncadd.s32 $0xFFFF3800  }
0x61: {  	s19 =	sadd.s32 $0x1, s19  }
0x62: {  	p0 =	sne.s32 s19, s8  }
.Ltmp2:
0x63: {  	_ = 	snop;
	(pc) =	sbr.rel @p0 .LBB2_1-.Ltmp2, $1  }
0x64: {  	_ =	sdelay $0x3  }
0x65: {  	_ =	sfence.sel $0x180000  }
0x66: {  	[bflag:$0x0] =	sbarrier.arrive $0xFFFF  }
0x67: {  	p0 =	sne.s32 s3, $0x0;
	_ =	strace $0x90000047  }
0x68: {  	s0 =	sadd.s32 @!p0 $0x100000, s0;
	[bflag:$0x2] =	sbarrier.arrive $0xFFFF  }
0x69: {  	[sflag:s0] =	ssyncadd.tile.s32 @!p0 $0x1;
	_ =	shalt  }
.Lfunc_end2:
_tile_overlayer_lowered:
.L_overlay_start_2:
0x6a: {  	(tag) =	ssettag $0x2  }
0x6b: {  	s0 =	rddreg [dreg:$0x0];
	s2 =	stileid.u32  }
0x6c: {  	s1 =	rddreg [dreg:$0x1];
	p0 =	sne.s32 s2, $0x0  }
0x6d: {  	s3 =	rddreg [dreg:$0x2];
	[bflag:$0x3] =	sbarrier.arrive $0xFFFF;
	s2 =	simm.s32 @!p0 $0x1C02  }
0x6e: {  	[timem:s3], [sflag:s2] =	dma.local @!p0 [hbm:s0], s1  }
0x6f: {  	s0 =	simm.s32 @!p0 $0x2  }
0x70: {  	_ =	swait.ge @!p0 [sflag:s0], s1  }
0x71: {  	s1 =	ssub.s32 @!p0 $0x0, s1;
	[sflag:s0] =	ssyncset.done @!p0 $0x0  }
0x72: {  	[sflag:s0] =	ssyncadd.s32 @!p0 s1  }
0x73: {  	[bflag:$0x3] =	sbarrier.arrive $0xFFFF  }
0x74: {  	_ =	shalt  }

// kernel: sparse-core-data-format-call.cloned.1.call-start
scs
called_computation_lowered:
.L_overlay_start_0:
0x0: {  	s2 =	sld [smem:$0x3FD9]  }
0x1: {  	s3 =	sld [smem:$0x3FFE];
	_ =	sdelay $0x1  }
0x2: {  	s1 =	srdreg.scid  }
0x3: {  	s0 =	sand.u32 $0x1, s1  }
0x4: {  	s18 =	sshll.u32 s0, $0xA;
	s2 =	sadd.s32 s3, s2  }
0x5: {  	s2 =	sadd.s32 s2, s18  }
0x6: {  	[smem:$0x3FC5] =	sst s2  }
0x7: {  	_ = 	snop  }
0x8: {  	s2 =	sld [smem:$0x3FD0];
	(tm) =	ssettm $0x1  }
0x9: {  	s19 =	sld [smem:$0x3FFB];
	_ =	sdelay $0x3  }
0xa: {  	_ =	strace s19  }
0xb: {  	s3 =	sld [smem:$0x3FFC];
	_ =	sdelay $0x3  }
0xc: {  	_ =	strace s3  }
0xd: {  	s3 =	sld [smem:$0x3FFD];
	_ =	sdelay $0x3  }
0xe: {  	_ =	strace s3  }
0xf: {  	_ =	strace $0x8FFFFFFF  }
0x10: {  	s20 =	sld [smem:$0x3FDB];
	_ =	sdelay $0x1  }
0x11: {  	s4 =	simm.s32 $_scs_section_size  }
0x12: {  	s5 =	simm.s32 $_size__tile_overlayer_lowered;
	s6 =	simm.s32 $_tile_overlayer_lowered  }
0x13: {  	s23 =	simm.s32 $0x1BFF;
	s22 =	sshll.u32 s6, $0x1;
	s3 =	sadd.s32 s4, s20  }
0x14: {  	s7 =	simm.s32 $0x0;
	s21 =	sshll.u32 s5, $0x1;
	s5 =	sadd.s32 s22, s3  }
0x15: {  	[timem:s7], [sflag:s23] =	dma.local [hbm:s5], s21  }
0x16: {  	_ =	swait.ge [sflag:s23], s21  }
0x17: {  	s4 =	ssub.s32 $0x0, s21;
	[sflag:s23] =	ssyncset.done $0x0  }
0x18: {  	[sflag:s23] =	ssyncadd.s32 s4;
	_ =	sdelay $0x1  }
0x19: {  	s24 =	simm.s32 $0x1B8B  }
0x1a: {  	_ =	swait.ge [sflag:s24], $0x1  }
0x1b: {  	[sflag:s24] =	ssyncset.done $0x0  }
0x1c: {  	s26 =	simm.s32 $0x1B8E;
	s25 =	sld [smem:$0x3FFE];
	[sflag:s24] =	ssyncadd.s32 $0xFFFFFFFF  }
0x1d: {  	s27 =	simm.s32 $execute0_lowered;
	[smem:$0x3FD2] =	sst s26  }
0x1e: {  	s5 =	sshll.u32 s27, $0x1;
	_ =	strace $0x80000049;
	[dreg:$0x1] =	wrdreg $0xFFFFFFFF  }
0x1f: {  	s28 =	simm.s32 $_size_execute0_lowered;
	s3 =	sadd.s32 s3, s5;
	[dreg:$0x0] =	wrdreg $0x0  }
0x20: {  	s5 =	sshll.u32 s28, $0x1;
	[dreg:$0x2] =	wrdreg s3  }
0x21: {  	[dreg:$0x3] =	wrdreg s5  }
0x22: {  	[dreg:$0x4] =	wrdreg $0xC0  }
0x23: {  	_ =	task [dreg:s7], $0x5FFFF  }
0x24: {  	[dreg:$0x1] =	wrdreg $0xFFFFFFFF  }
0x25: {  	[dreg:$0x0] =	wrdreg $0x60  }
0x26: {  	[dreg:$0x2] =	wrdreg s25  }
0x27: {  	[dreg:$0x3] =	wrdreg s2  }
0x28: {  	[dreg:$0x4] =	wrdreg $0x9  }
0x29: {  	_ =	task.clear_ibuf [dreg:s7], $0x5FFFF;
	_ =	strace $0x90000049  }
0x2a: {  	s29 =	simm.s32 $0x9;
	_ =	strace $0x8000004B  }
0x2b: {  	_ =	swait.ge [sflag:s29], $0x1  }
0x2c: {  	[sflag:s29] =	ssyncadd.s32 $0xFFFFFFFF  }
0x2d: {  	_ =	strace $0x9000004B  }
0x2e: {  	_ =	sfence  }
0x2f: {  	s30 =	sld [smem:$0x0];
	_ =	sdelay $0x2  }
0x30: {  	s31 =	sshll.u32 s1, $0xD;
	s1 =	sshrl.u32 s1, $0x2  }
0x31: {  	s3 =	sand.u32 $0x4000, s31;
	s1 =	sadd.s32 s1, s30  }
0x32: {  	s0 =	sor.u32 s3, s0;
	s1 =	sshll.u32 s1, $0x11  }
0x33: {  	s0 =	sor.u32 s1, s0  }
0x34: {  	s0 =	sadd.s32 $0x8F2B, s0  }
0x35: {  	[sflag:s0] =	ssyncadd.remote.s32 $0x1  }
0x36: {  	_ =	sfence.sel $0xFFFF  }
0x37: {  	[dreg:$0x0] =	wrdreg $0xFFFFFFFF;
	(pc) =	sbr.abs _section_cstart, $3  }
0x38: {  	[dreg:$0x1] =	wrdreg $0xFFFFFFFF  }
0x39: {  	_ =	task.clear_ibuf [dreg:s7], $0x2FFFF;
	_ =	strace $0x9FFFFFFF  }
0x3a: {  	(tm) =	ssettm $0x7FFFFFFF  }
0x3b: {  	_ =	shalt  }
tec
execute0_lowered:
.L_overlay_start_1:
0x0: {  	(tag) =	ssettag $0x1  }
0x1: {  	s0 =	srdreg.scid  }
0x2: {  	s1 =	sshll.u32 s0, $0x4  }
0x3: {  	s0 =	stileid.u32;
	s1 =	sand.u32 $0x10, s1  }
0x4: {  	s1 =	sor.u32 s0, s1  }
0x5: {  	s6 =	rddreg [dreg:$0x0];
	s4 =	simm.s32 $0x1;
	s2 =	sshll.u32 s1, $0x7  }
0x6: {  	s7 =	simm.s32 $0x2;
	s12 =	simm.s32 $0x0;
	s1 =	ssub.s32 $0x1000, s2  }
0x7: {  	s8 =	simm.s32 $0x8000;
	s13 =	simm.s32 $0x0;
	s3 =	sand.u32 $0xF80, s1  }
0x8: {  	s9 =	simm.s32 $0x0;
	s5 =	sshrl.u32 s1, $0xC;
	p0 =	sne.s32 s3, $0x0  }
.Ltmp0:
0x9: {  	s1 =	rddreg [dreg:$0x2];
	s4 =	simm.s32 @!p0 $0x0;
	(pc) =	sbr.rel .LBB1_1-.Ltmp0, $4  }
0xa: {  	s11 =	simm.s32 $0x0;
	s3 =	rddreg [dreg:$0x1];
	s5 =	sadd.s32 s4, s5  }
0xb: {  	_ =	strace $0x8000004A;
	s4 =	simm.s32 $0x1;
	s5 =	smul.u32 $0xC8, s5  }
0xc: {  	s6 =	sadd.s32 $0xC00, s6;
	s10 =	smov.u32 s2;
	[sflag:s4] =	ssyncpa.u1 $0x0  }
0xd: {  	p0 =	por $0x0, $0x0;
	[sflag:s7] =	ssyncpa.u1 $0x0;
	s7 =	sor.u32 $0x1, s5  }
.LBB1_4:
0xe: {  	s16 =	sshll.u32 s13, $0x3;
	s17 =	sand.u32 $0x78, s13  }
0xf: {  	s30 =	sand.u32 $0x7E00, s13;
	s12 =	sshll.u32 s12, $0xF;
	s16 =	sand.u32 $0xC00, s16  }
0x10: {  	[tilespmem:s15+$0x810 ss:$0x81] =	vst.msk $0xffff, v2;
	s31 =	sand.u32 $0x7, s13;
	s16 =	sor.u32 s17, s16;
	s17 =	sadd.s32 s3, s30  }
0x11: {  	[tilespmem:s15+$0x1020 ss:$0x81] =	vst.msk $0xffff, v0;
	s13 =	sshll.u32 s31, $0x12;
	s12 =	sadd.s32 s12, s17;
	s16 =	sshrl.u32 s16, $0x3  }
0x12: {  	[tilespmem:s15+$0x0 ss:$0x81] =	vst.msk $0xffff, v1;
	s13 =	sor.u32 $0x400, s13;
	s12 =	sadd.s32 s16, s12  }
0x13: {  	[hbm4b:s12+s13] =	stream.strided.scatter [tilespmem:s14], [sflag:$0x2], $0x2000, s8, s13, $0x20;
	[tilespmem:$0x8080] =	vst v63  }
.LBB1_5:
0x14: {  	s14 =	sadd.s32 $0x1, s9  }
0x15: {  	s12 =	sadd.s32 $0x1000, s10;
	s16 =	smov.u32 s10;
	p2 =	sgt.s32 s14, $0xC7  }
0x16: {  	s16 =	smov.u32 @p2 s12  }
0x17: {  	s14 =	simm.s32 @p2 $0x0;
	p2 =	sgt.s32 s16, $0xFFF  }
0x18: {  	s16 =	smov.u32 @p2 s2;
	p2 =	sne.s32 s11, s7  }
.Ltmp1:
0x19: {  	p1 =	slt.u32 s11, $0x2;
	(pc) =	sbr.rel @!p2 .LBB1_6-.Ltmp1, $4  }
0x1a: {  	s15 =	simm.s32 @!p1 $0x2  }
0x1b: {  	s13 =	smov.u32 s10;
	p0 =	por !p0, !p0;
	_ =	swait.ge @!p1 [sflag:s15], $0x2000  }
0x1c: {  	s12 =	smov.u32 s9;
	[sflag:s15] =	ssyncset.done @!p1 $0x0;
	s9 =	smov.u32 s14  }
0x1d: {  	s11 =	sadd.s32 $0x1, s11;
	[sflag:s15] =	ssyncadd.s32 @!p1 $0xFFFFE000;
	s10 =	smov.u32 s16  }
.LBB1_1:
0x1e: {  	p1 =	sge.u32 s11, s5  }
0x1f: {  	s14 =	sand.u32 @!p1 $0x1FFFFFF, s9  }
0x20: {  	s15 =	smulhi.u32 @!p1 $0x147AE15, s14;
	_ =	sdelay $0x1  }
0x21: {  	s15 =	smul.u32 @!p1 $0xC8, s15  }
0x22: {  	s16 =	sxor.u32 @!p1 $0xFFFFFFFF, s11;
	s17 =	smul.u32 @!p1 $0xC80, s10  }
0x23: {  	s31 =	sadd.s32 $0xFFFFFFFF, s11;
	s16 =	sshll.u32 @!p1 s16, $0xD;
	s14 =	ssub.s32 @!p1 s14, s15  }
0x24: {  	s15 =	sand.u32 @!p1 $0x2000, s16;
	s16 =	sadd.s32 @!p1 s6, s17;
	s14 =	sshll.u32 @!p1 s14, $0x4  }
0x25: {  	s17 =	simm.s32 @!p1 $0x6400;
	s14 =	sadd.s32 @!p1 s14, s16;
	s16 =	simm.s32 @!p1 $0x40  }
0x26: {  	[tilespmem:s15], [sflag:$0x1] =	stream.strided.gather @!p1 [hbm4b:s14+s16], $0x2000, s17, s16, $0x38;
	[tilespmem:$0x8080] =	vst v63  }
0x27: {  	p1 =	sge.u32 s31, s5  }
.Ltmp2:
0x28: {  	_ = 	snop;
	(pc) =	sbr.rel @p1 .LBB1_5-.Ltmp2, $1  }
0x29: {  	_ =	sdelay $0x3  }
0x2a: {  	s14 =	simm.s32 $0x1  }
0x2b: {  	_ =	swait.ge [sflag:s4], $0x2000;
	s14 =	simm.s32 @!p0 $0x0  }
0x2c: {  	[sflag:s4] =	ssyncset.done $0x0;
	s15 =	sshll.u32 s14, $0xD  }
0x2d: {  	[sflag:s4] =	ssyncadd.s32 $0xFFFFE000;
	s18 =	sor.u32 $0x20, s15  }
0x2e: {  	s14 =	smul.u32 $0x8100, s14;
	v3 =	vld [tilespmem:s18+$0x10]  }
0x2f: {  	s30 =	sand.u32 $0x1, s11;
	v2 =	vld [tilespmem:s18+$0xFFFFFFF0]  }
0x30: {  	s15 =	smul.u32 $0x8100, s30;
	s14 =	sshrl.u32 s14, $0x2;
	v0 =	vld [tilespmem:s18+$0x0]  }
0x31: {  	v1 =	vld [tilespmem:s18+$0xFFFFFFE0];
	s16 =	sor.u32 $0x4000, s14  }
0x32: {  	s31 =	sshrl.u32 s15, $0x2;
	s15 =	sadd.s32 $0x0, s16  }
0x33: {  	s17 =	simm.s32 $0x4;
	s18 =	sadd.s32 $0x40, s18;
	s14 =	sor.u32 $0x4000, s31;
	[tilespmem:s15+$0x1830 ss:$0x81] =	vst.msk $0xffff, v3  }
.LBB1_3:
0x34: {  	v3 =	vld [tilespmem:s18+$0x10];
	p1 =	sne.s32 s17, $0x1FC;
	[tilespmem:s15+$0x810 ss:$0x81] =	vst.msk $0xffff, v2;
	s19 =	smov.u32 s17;
	s17 =	sadd.s32 $0x4, s17  }
.Ltmp3:
0x35: {  	v2 =	vld [tilespmem:s18+$0xFFFFFFF0];
	[tilespmem:s15+$0x1020 ss:$0x81] =	vst.msk $0xffff, v0;
	(pc) =	sbr.rel @p1 .LBB1_3-.Ltmp3, $4  }
0x36: {  	v0 =	vld [tilespmem:s18+$0x0];
	[tilespmem:s15+$0x0 ss:$0x81] =	vst.msk $0xffff, v1  }
0x37: {  	s15 =	sshra.s32 s19, $0x2;
	v1 =	vld [tilespmem:s18+$0xFFFFFFE0]  }
0x38: {  	s15 =	sadd.s32 s15, s16  }
0x39: {  	s18 =	sadd.s32 $0x40, s18;
	[tilespmem:s15+$0x1830 ss:$0x81] =	vst.msk $0xffff, v3  }
.Ltmp4:
0x3a: {  	_ = 	snop;
	(pc) =	sbr.rel .LBB1_4-.Ltmp4, $1  }
0x3b: {  	_ =	sdelay $0x3  }
.LBB1_6:
0x3c: {  	_ =	sfence.sel $0x180000  }
0x3d: {  	s2 =	simm.s32 $0x1;
	[bflag:$0x0] =	sbarrier.arrive $0xFFFF  }
0x3e: {  	s31 =	simm.s32 $0x2;
	[sflag:s2] =	ssyncpa.u1 $0x1  }
0x3f: {  	[sflag:s31] =	ssyncpa.u1 $0x1  }
0x40: {  	p0 =	sne.s32 s0, $0x0;
	_ =	strace $0x9000004A  }
0x41: {  	s0 =	sadd.s32 @!p0 $0x100000, s1;
	[bflag:$0x2] =	sbarrier.arrive $0xFFFF  }
0x42: {  	[sflag:s0] =	ssyncadd.tile.s32 @!p0 $0x1;
	_ =	shalt  }
.Lfunc_end1:
_tile_overlayer_lowered:
.L_overlay_start_2:
0x43: {  	(tag) =	ssettag $0x2  }
0x44: {  	s0 =	rddreg [dreg:$0x0];
	s2 =	stileid.u32  }
0x45: {  	s1 =	rddreg [dreg:$0x1];
	p0 =	sne.s32 s2, $0x0  }
0x46: {  	s3 =	rddreg [dreg:$0x2];
	[bflag:$0x3] =	sbarrier.arrive $0xFFFF;
	s2 =	simm.s32 @!p0 $0x1C01  }
0x47: {  	[timem:s3], [sflag:s2] =	dma.local @!p0 [hbm:s0], s1  }
0x48: {  	s0 =	simm.s32 @!p0 $0x1  }
0x49: {  	_ =	swait.ge @!p0 [sflag:s0], s1  }
0x4a: {  	s1 =	ssub.s32 @!p0 $0x0, s1;
	[sflag:s0] =	ssyncset.done @!p0 $0x0  }
0x4b: {  	[sflag:s0] =	ssyncadd.s32 @!p0 s1  }
0x4c: {  	[bflag:$0x3] =	sbarrier.arrive $0xFFFF  }
0x4d: {  	_ =	shalt  }

</sc_bundles>
